<compile_context>
chip_gen: v7x
topology: tpu7x:2x2x1
jax: 0.10.2.dev20260603
libtpu: 0.0.44.dev20260713+nightly
codegen_flags: <defaults>
</compile_context>

<pallas_src>
import jax
import jax.numpy as jnp
from jax import lax
from jax.experimental import pallas as pl
from jax.experimental.pallas import tpu as pltpu
from jax.experimental.pallas import tpu_sc as plsc

VOCAB = 100000
EMBED = 128
BATCH = 1024
SEQ = 200

_INFO = plsc.get_sparse_core_info()
NC = _INFO.num_cores
NS = _INFO.num_subcores
NW = NC * NS
N = BATCH * SEQ
PW = N // NW
CH = 128
K = PW // CH


LEAD = 3
NBUF = 2 * LEAD


def _body(table_hbm, idx_hbm, out_hbm, idx_v, *rest):
    bufs, (gsem, ssem) = rest[:NBUF], rest[NBUF:]
    wid = lax.axis_index("s") * NC + lax.axis_index("c")
    pltpu.sync_copy(idx_hbm.at[wid], idx_v)
    base = wid * PW

    def gather(j, buf):
        pltpu.async_copy(table_hbm.at[idx_v.at[j]], buf, gsem)

    def scatter(j, buf):
        pltpu.async_copy(buf, out_hbm.at[pl.ds(base + j * CH, CH)], ssem)

    def wait(sem):
        pltpu.make_async_copy(bufs[0], out_hbm.at[pl.ds(base, CH)], sem).wait()

    for j in range(LEAD):
        gather(j, bufs[j])
    start = next(s for s in range(LEAD, LEAD + NBUF)
                 if (K - LEAD - s) % NBUF == 0)
    for j in range(start):
        wait(gsem)
        if j >= LEAD:
            wait(ssem)
        gather(j + LEAD, bufs[(j + LEAD) % NBUF])
        scatter(j, bufs[j % NBUF])

    def group(i, carry):
        j0 = start + NBUF * i
        for b in range(NBUF):
            j = j0 + b
            wait(gsem)
            wait(ssem)
            gather(j + LEAD, bufs[(start + b + LEAD) % NBUF])
            scatter(j, bufs[(start + b) % NBUF])
        return carry

    lax.fori_loop(0, (K - LEAD - start) // NBUF, group, 0)

    for j in range(K - LEAD, K):
        wait(gsem)
        wait(ssem)
        scatter(j, bufs[j % NBUF])
    for _ in range(LEAD):
        wait(ssem)


@jax.jit
def _gather(table, idx):
    mesh = plsc.VectorSubcoreMesh(core_axis_name="c", subcore_axis_name="s")
    return pl.kernel(
        _body,
        out_type=jax.ShapeDtypeStruct((N, EMBED), jnp.float32),
        mesh=mesh,
        scratch_types=(
            [pltpu.VMEM((K, CH), jnp.int32)]
            + [pltpu.VMEM((CH, EMBED), jnp.float32) for _ in range(NBUF)]
            + [pltpu.SemaphoreType.DMA, pltpu.SemaphoreType.DMA]
        ),
    )(table, idx)


def kernel(word_sequences, word_embedding):
    idx = word_sequences.astype(jnp.int32).reshape(NW, K, CH)
    out = _gather(word_embedding, idx)
    return out.reshape(BATCH, SEQ, EMBED)

# --- scband reference (transcript-rebuilt; emitter-appended) ---
"""Pipeline reference for scband-embedding-layer-65566970741374 (READ-ONLY COPY).

The authoritative reference and input builder live on the scoring server;
editing this copy changes nothing except your own understanding.
"""

import jax, jax.numpy as jnp
import numpy as np

VOCAB = 100000
EMBED = 128
BATCH = 1024
SEQ = 200


def setup_inputs(seed: int = 0) -> dict:
    key = jax.random.key(seed)
    k1, k2 = jax.random.split(key)
    word_sequences = jax.random.randint(k1, (BATCH, SEQ), 0, VOCAB)
    word_embedding = jax.random.normal(k2, (VOCAB, EMBED), dtype=jnp.float32)
    return {"word_sequences": word_sequences, "word_embedding": word_embedding}


def reference(word_sequences, word_embedding):
    # EmbeddingLayer configured with output_embedding_type=Word,
    # learn_word_embeddings=True, all other branches disabled.
    # forward: word_embeddings = self._word_embedding(word_sequences)
    #          word_embeddings = dropout(word_embeddings)  # identity in eval mode
    #          return word_embeddings
    word_embeddings = jnp.take(word_embedding, word_sequences, axis=0)
    return word_embeddings

if __name__ == "__main__":
    import jax
    _d = setup_inputs()
    print(jax.jit(kernel)(*tuple(_d.values())))

</pallas_src>

<mosaic_0001>
#map = affine_map<(d0, d1) -> (0, 0)>
#map1 = affine_map<(d0, d1) -> (0, 0, 0)>
module attributes {stable_mosaic.version = 14 : i64} {
  func.func @_body(%arg0: i32, %arg1: i32, %arg2: memref<100000x128xf32, #tpu.memory_space<hbm>>, %arg3: memref<32x50x128xi32, #tpu.memory_space<hbm>>, %arg4: memref<204800x128xf32, #tpu.memory_space<hbm>>, %arg5: memref<50x128xi32, #tpu.memory_space<vmem>>, %arg6: memref<128x128xf32, #tpu.memory_space<vmem>>, %arg7: memref<128x128xf32, #tpu.memory_space<vmem>>, %arg8: memref<128x128xf32, #tpu.memory_space<vmem>>, %arg9: memref<128x128xf32, #tpu.memory_space<vmem>>, %arg10: memref<128x128xf32, #tpu.memory_space<vmem>>, %arg11: memref<128x128xf32, #tpu.memory_space<vmem>>, %arg12: memref<!tpu.dma_semaphore, #tpu.memory_space<semaphore_mem>>, %arg13: memref<!tpu.dma_semaphore, #tpu.memory_space<semaphore_mem>>) attributes {dimension_semantics = [#tpu.dimension_semantics<core_parallel>, #tpu.dimension_semantics<subcore_parallel>], iteration_bounds = array<i64: 2, 16>, scalar_prefetch = 0 : i64, scratch_operands = 9 : i64, tpu.core_type = #tpu.core_type<sc_vector_subcore>, window_params = [{transform_indices = #map}, {transform_indices = #map1}, {transform_indices = #map}]} {
    %mul3A = arith.constant 2 : i32
    %mul3A_0 = arith.muli %arg1, %mul3A : i32
    %add3A = arith.addi %mul3A_0, %arg0 : i32
    "tpu.region"() ({
      %run_scoped3A = tpu.sem_alloc : memref<!tpu.dma_semaphore, #tpu.memory_space<semaphore_mem>>
      %dma_start3A_174 = arith.constant 0 : i32
      %dma_start3A_175 = arith.constant 0 : i32
      %dma_start3A_176 = tpu.memref_slice %arg3[%add3A, %dma_start3A_174, %dma_start3A_175] : memref<32x50x128xi32, #tpu.memory_space<hbm>> -> memref<1x50x128xi32, #tpu.memory_space<hbm>>
      %dma_start3A_177 = tpu.memref_squeeze %dma_start3A_176 : memref<1x50x128xi32, #tpu.memory_space<hbm>> -> memref<50x128xi32, #tpu.memory_space<hbm>>
      %dma_start3A_178 = arith.constant 0 : i32
      %dma_start3A_179 = arith.constant 0 : i32
      %dma_start3A_180 = tpu.memref_slice %arg3[%add3A, %dma_start3A_178, %dma_start3A_179] : memref<32x50x128xi32, #tpu.memory_space<hbm>> -> memref<1x50x128xi32, #tpu.memory_space<hbm>>
      %dma_start3A_181 = tpu.memref_squeeze %dma_start3A_180 : memref<1x50x128xi32, #tpu.memory_space<hbm>> -> memref<50x128xi32, #tpu.memory_space<hbm>>
      tpu.enqueue_dma source(%dma_start3A_181 : memref<50x128xi32, #tpu.memory_space<hbm>>) target(%arg5 : memref<50x128xi32, #tpu.memory_space<vmem>>) target_semaphore(%run_scoped3A : memref<!tpu.dma_semaphore, #tpu.memory_space<semaphore_mem>>)
      %dma_wait3A_182 = arith.constant 0 : i32
      %dma_wait3A_183 = arith.constant 0 : i32
      %dma_wait3A_184 = tpu.memref_slice %arg3[%add3A, %dma_wait3A_182, %dma_wait3A_183] : memref<32x50x128xi32, #tpu.memory_space<hbm>> -> memref<1x50x128xi32, #tpu.memory_space<hbm>>
      %dma_wait3A_185 = tpu.memref_squeeze %dma_wait3A_184 : memref<1x50x128xi32, #tpu.memory_space<hbm>> -> memref<50x128xi32, #tpu.memory_space<hbm>>
      %dma_wait3A_186 = arith.constant 0 : i32
      %dma_wait3A_187 = arith.constant 0 : i32
      %dma_wait3A_188 = tpu.memref_slice %arg3[%add3A, %dma_wait3A_186, %dma_wait3A_187] : memref<32x50x128xi32, #tpu.memory_space<hbm>> -> memref<1x50x128xi32, #tpu.memory_space<hbm>>
      %dma_wait3A_189 = tpu.memref_squeeze %dma_wait3A_188 : memref<1x50x128xi32, #tpu.memory_space<hbm>> -> memref<50x128xi32, #tpu.memory_space<hbm>>
      tpu.wait_dma2 semaphore(%run_scoped3A : memref<!tpu.dma_semaphore, #tpu.memory_space<semaphore_mem>>) src(%dma_wait3A_189 : memref<50x128xi32, #tpu.memory_space<hbm>>) dst(%arg5 : memref<50x128xi32, #tpu.memory_space<vmem>>)
      tpu.yield
    }) : () -> ()
    %mul3A_1 = arith.constant 6400 : i32
    %mul3A_2 = arith.muli %add3A, %mul3A_1 : i32
    %dma_start3A = arith.constant 0 : i32
    %dma_start3A_3 = arith.constant 0 : i32
    %dma_start3A_4 = tpu.memref_slice %arg5[%dma_start3A, %dma_start3A_3] : memref<50x128xi32, #tpu.memory_space<vmem>> -> memref<1x128xi32, #tpu.memory_space<vmem>>
    %dma_start3A_5 = tpu.memref_squeeze %dma_start3A_4 : memref<1x128xi32, #tpu.memory_space<vmem>> -> memref<128xi32, #tpu.memory_space<vmem>>
    %dma_start3A_6 = arith.constant 0 : i32
    %dma_start3A_7 = arith.constant 0 : i32
    %dma_start3A_8 = tpu.memref_slice %arg2[%dma_start3A_6, %dma_start3A_7] : memref<100000x128xf32, #tpu.memory_space<hbm>> -> memref<100000x128xf32, #tpu.memory_space<hbm>>
    tpu.enqueue_indirect_dma source(%dma_start3A_8 : memref<100000x128xf32, #tpu.memory_space<hbm>>) target(%arg6 : memref<128x128xf32, #tpu.memory_space<vmem>>) offsets(%dma_start3A_5 : memref<128xi32, #tpu.memory_space<vmem>>) semaphore(%arg12 : memref<!tpu.dma_semaphore, #tpu.memory_space<semaphore_mem>>)
    %dma_start3A_9 = arith.constant 1 : i32
    %dma_start3A_10 = arith.constant 0 : i32
    %dma_start3A_11 = tpu.memref_slice %arg5[%dma_start3A_9, %dma_start3A_10] : memref<50x128xi32, #tpu.memory_space<vmem>> -> memref<1x128xi32, #tpu.memory_space<vmem>>
    %dma_start3A_12 = tpu.memref_squeeze %dma_start3A_11 : memref<1x128xi32, #tpu.memory_space<vmem>> -> memref<128xi32, #tpu.memory_space<vmem>>
    %dma_start3A_13 = arith.constant 0 : i32
    %dma_start3A_14 = arith.constant 0 : i32
    %dma_start3A_15 = tpu.memref_slice %arg2[%dma_start3A_13, %dma_start3A_14] : memref<100000x128xf32, #tpu.memory_space<hbm>> -> memref<100000x128xf32, #tpu.memory_space<hbm>>
    tpu.enqueue_indirect_dma source(%dma_start3A_15 : memref<100000x128xf32, #tpu.memory_space<hbm>>) target(%arg7 : memref<128x128xf32, #tpu.memory_space<vmem>>) offsets(%dma_start3A_12 : memref<128xi32, #tpu.memory_space<vmem>>) semaphore(%arg12 : memref<!tpu.dma_semaphore, #tpu.memory_space<semaphore_mem>>)
    %dma_start3A_16 = arith.constant 2 : i32
    %dma_start3A_17 = arith.constant 0 : i32
    %dma_start3A_18 = tpu.memref_slice %arg5[%dma_start3A_16, %dma_start3A_17] : memref<50x128xi32, #tpu.memory_space<vmem>> -> memref<1x128xi32, #tpu.memory_space<vmem>>
    %dma_start3A_19 = tpu.memref_squeeze %dma_start3A_18 : memref<1x128xi32, #tpu.memory_space<vmem>> -> memref<128xi32, #tpu.memory_space<vmem>>
    %dma_start3A_20 = arith.constant 0 : i32
    %dma_start3A_21 = arith.constant 0 : i32
    %dma_start3A_22 = tpu.memref_slice %arg2[%dma_start3A_20, %dma_start3A_21] : memref<100000x128xf32, #tpu.memory_space<hbm>> -> memref<100000x128xf32, #tpu.memory_space<hbm>>
    tpu.enqueue_indirect_dma source(%dma_start3A_22 : memref<100000x128xf32, #tpu.memory_space<hbm>>) target(%arg8 : memref<128x128xf32, #tpu.memory_space<vmem>>) offsets(%dma_start3A_19 : memref<128xi32, #tpu.memory_space<vmem>>) semaphore(%arg12 : memref<!tpu.dma_semaphore, #tpu.memory_space<semaphore_mem>>)
    %dma_wait3A = arith.constant 0 : i32
    %dma_wait3A_23 = tpu.memref_slice %arg4[%mul3A_2, %dma_wait3A] : memref<204800x128xf32, #tpu.memory_space<hbm>> -> memref<128x128xf32, #tpu.memory_space<hbm>>
    %dma_wait3A_24 = arith.constant 0 : i32
    %dma_wait3A_25 = tpu.memref_slice %arg4[%mul3A_2, %dma_wait3A_24] : memref<204800x128xf32, #tpu.memory_space<hbm>> -> memref<128x128xf32, #tpu.memory_space<hbm>>
    tpu.wait_dma2 semaphore(%arg12 : memref<!tpu.dma_semaphore, #tpu.memory_space<semaphore_mem>>) src(%arg6 : memref<128x128xf32, #tpu.memory_space<vmem>>) dst(%dma_wait3A_25 : memref<128x128xf32, #tpu.memory_space<hbm>>)
    %dma_start3A_26 = arith.constant 3 : i32
    %dma_start3A_27 = arith.constant 0 : i32
    %dma_start3A_28 = tpu.memref_slice %arg5[%dma_start3A_26, %dma_start3A_27] : memref<50x128xi32, #tpu.memory_space<vmem>> -> memref<1x128xi32, #tpu.memory_space<vmem>>
    %dma_start3A_29 = tpu.memref_squeeze %dma_start3A_28 : memref<1x128xi32, #tpu.memory_space<vmem>> -> memref<128xi32, #tpu.memory_space<vmem>>
    %dma_start3A_30 = arith.constant 0 : i32
    %dma_start3A_31 = arith.constant 0 : i32
    %dma_start3A_32 = tpu.memref_slice %arg2[%dma_start3A_30, %dma_start3A_31] : memref<100000x128xf32, #tpu.memory_space<hbm>> -> memref<100000x128xf32, #tpu.memory_space<hbm>>
    tpu.enqueue_indirect_dma source(%dma_start3A_32 : memref<100000x128xf32, #tpu.memory_space<hbm>>) target(%arg9 : memref<128x128xf32, #tpu.memory_space<vmem>>) offsets(%dma_start3A_29 : memref<128xi32, #tpu.memory_space<vmem>>) semaphore(%arg12 : memref<!tpu.dma_semaphore, #tpu.memory_space<semaphore_mem>>)
    %add3A_33 = arith.constant 0 : i32
    %add3A_34 = arith.addi %mul3A_2, %add3A_33 : i32
    %dma_start3A_35 = arith.constant 0 : i32
    %dma_start3A_36 = tpu.memref_slice %arg4[%add3A_34, %dma_start3A_35] : memref<204800x128xf32, #tpu.memory_space<hbm>> -> memref<128x128xf32, #tpu.memory_space<hbm>>
    %dma_start3A_37 = arith.constant 0 : i32
    %dma_start3A_38 = tpu.memref_slice %arg4[%add3A_34, %dma_start3A_37] : memref<204800x128xf32, #tpu.memory_space<hbm>> -> memref<128x128xf32, #tpu.memory_space<hbm>>
    tpu.enqueue_dma source(%arg6 : memref<128x128xf32, #tpu.memory_space<vmem>>) target(%dma_start3A_38 : memref<128x128xf32, #tpu.memory_space<hbm>>) target_semaphore(%arg13 : memref<!tpu.dma_semaphore, #tpu.memory_space<semaphore_mem>>)
    %dma_wait3A_39 = arith.constant 0 : i32
    %dma_wait3A_40 = tpu.memref_slice %arg4[%mul3A_2, %dma_wait3A_39] : memref<204800x128xf32, #tpu.memory_space<hbm>> -> memref<128x128xf32, #tpu.memory_space<hbm>>
    %dma_wait3A_41 = arith.constant 0 : i32
    %dma_wait3A_42 = tpu.memref_slice %arg4[%mul3A_2, %dma_wait3A_41] : memref<204800x128xf32, #tpu.memory_space<hbm>> -> memref<128x128xf32, #tpu.memory_space<hbm>>
    tpu.wait_dma2 semaphore(%arg12 : memref<!tpu.dma_semaphore, #tpu.memory_space<semaphore_mem>>) src(%arg6 : memref<128x128xf32, #tpu.memory_space<vmem>>) dst(%dma_wait3A_42 : memref<128x128xf32, #tpu.memory_space<hbm>>)
    %dma_start3A_43 = arith.constant 4 : i32
    %dma_start3A_44 = arith.constant 0 : i32
    %dma_start3A_45 = tpu.memref_slice %arg5[%dma_start3A_43, %dma_start3A_44] : memref<50x128xi32, #tpu.memory_space<vmem>> -> memref<1x128xi32, #tpu.memory_space<vmem>>
    %dma_start3A_46 = tpu.memref_squeeze %dma_start3A_45 : memref<1x128xi32, #tpu.memory_space<vmem>> -> memref<128xi32, #tpu.memory_space<vmem>>
    %dma_start3A_47 = arith.constant 0 : i32
    %dma_start3A_48 = arith.constant 0 : i32
    %dma_start3A_49 = tpu.memref_slice %arg2[%dma_start3A_47, %dma_start3A_48] : memref<100000x128xf32, #tpu.memory_space<hbm>> -> memref<100000x128xf32, #tpu.memory_space<hbm>>
    tpu.enqueue_indirect_dma source(%dma_start3A_49 : memref<100000x128xf32, #tpu.memory_space<hbm>>) target(%arg10 : memref<128x128xf32, #tpu.memory_space<vmem>>) offsets(%dma_start3A_46 : memref<128xi32, #tpu.memory_space<vmem>>) semaphore(%arg12 : memref<!tpu.dma_semaphore, #tpu.memory_space<semaphore_mem>>)
    %add3A_50 = arith.constant 128 : i32
    %add3A_51 = arith.addi %mul3A_2, %add3A_50 : i32
    %dma_start3A_52 = arith.constant 0 : i32
    %dma_start3A_53 = tpu.memref_slice %arg4[%add3A_51, %dma_start3A_52] : memref<204800x128xf32, #tpu.memory_space<hbm>> -> memref<128x128xf32, #tpu.memory_space<hbm>>
    %dma_start3A_54 = arith.constant 0 : i32
    %dma_start3A_55 = tpu.memref_slice %arg4[%add3A_51, %dma_start3A_54] : memref<204800x128xf32, #tpu.memory_space<hbm>> -> memref<128x128xf32, #tpu.memory_space<hbm>>
    tpu.enqueue_dma source(%arg7 : memref<128x128xf32, #tpu.memory_space<vmem>>) target(%dma_start3A_55 : memref<128x128xf32, #tpu.memory_space<hbm>>) target_semaphore(%arg13 : memref<!tpu.dma_semaphore, #tpu.memory_space<semaphore_mem>>)
    %dma_wait3A_56 = arith.constant 0 : i32
    %dma_wait3A_57 = tpu.memref_slice %arg4[%mul3A_2, %dma_wait3A_56] : memref<204800x128xf32, #tpu.memory_space<hbm>> -> memref<128x128xf32, #tpu.memory_space<hbm>>
    %dma_wait3A_58 = arith.constant 0 : i32
    %dma_wait3A_59 = tpu.memref_slice %arg4[%mul3A_2, %dma_wait3A_58] : memref<204800x128xf32, #tpu.memory_space<hbm>> -> memref<128x128xf32, #tpu.memory_space<hbm>>
    tpu.wait_dma2 semaphore(%arg12 : memref<!tpu.dma_semaphore, #tpu.memory_space<semaphore_mem>>) src(%arg6 : memref<128x128xf32, #tpu.memory_space<vmem>>) dst(%dma_wait3A_59 : memref<128x128xf32, #tpu.memory_space<hbm>>)
    %dma_start3A_60 = arith.constant 5 : i32
    %dma_start3A_61 = arith.constant 0 : i32
    %dma_start3A_62 = tpu.memref_slice %arg5[%dma_start3A_60, %dma_start3A_61] : memref<50x128xi32, #tpu.memory_space<vmem>> -> memref<1x128xi32, #tpu.memory_space<vmem>>
    %dma_start3A_63 = tpu.memref_squeeze %dma_start3A_62 : memref<1x128xi32, #tpu.memory_space<vmem>> -> memref<128xi32, #tpu.memory_space<vmem>>
    %dma_start3A_64 = arith.constant 0 : i32
    %dma_start3A_65 = arith.constant 0 : i32
    %dma_start3A_66 = tpu.memref_slice %arg2[%dma_start3A_64, %dma_start3A_65] : memref<100000x128xf32, #tpu.memory_space<hbm>> -> memref<100000x128xf32, #tpu.memory_space<hbm>>
    tpu.enqueue_indirect_dma source(%dma_start3A_66 : memref<100000x128xf32, #tpu.memory_space<hbm>>) target(%arg11 : memref<128x128xf32, #tpu.memory_space<vmem>>) offsets(%dma_start3A_63 : memref<128xi32, #tpu.memory_space<vmem>>) semaphore(%arg12 : memref<!tpu.dma_semaphore, #tpu.memory_space<semaphore_mem>>)
    %add3A_67 = arith.constant 256 : i32
    %add3A_68 = arith.addi %mul3A_2, %add3A_67 : i32
    %dma_start3A_69 = arith.constant 0 : i32
    %dma_start3A_70 = tpu.memref_slice %arg4[%add3A_68, %dma_start3A_69] : memref<204800x128xf32, #tpu.memory_space<hbm>> -> memref<128x128xf32, #tpu.memory_space<hbm>>
    %dma_start3A_71 = arith.constant 0 : i32
    %dma_start3A_72 = tpu.memref_slice %arg4[%add3A_68, %dma_start3A_71] : memref<204800x128xf32, #tpu.memory_space<hbm>> -> memref<128x128xf32, #tpu.memory_space<hbm>>
    tpu.enqueue_dma source(%arg8 : memref<128x128xf32, #tpu.memory_space<vmem>>) target(%dma_start3A_72 : memref<128x128xf32, #tpu.memory_space<hbm>>) target_semaphore(%arg13 : memref<!tpu.dma_semaphore, #tpu.memory_space<semaphore_mem>>)
    %dma_wait3A_73 = arith.constant 0 : i32
    %dma_wait3A_74 = tpu.memref_slice %arg4[%mul3A_2, %dma_wait3A_73] : memref<204800x128xf32, #tpu.memory_space<hbm>> -> memref<128x128xf32, #tpu.memory_space<hbm>>
    %dma_wait3A_75 = arith.constant 0 : i32
    %dma_wait3A_76 = tpu.memref_slice %arg4[%mul3A_2, %dma_wait3A_75] : memref<204800x128xf32, #tpu.memory_space<hbm>> -> memref<128x128xf32, #tpu.memory_space<hbm>>
    tpu.wait_dma2 semaphore(%arg12 : memref<!tpu.dma_semaphore, #tpu.memory_space<semaphore_mem>>) src(%arg6 : memref<128x128xf32, #tpu.memory_space<vmem>>) dst(%dma_wait3A_76 : memref<128x128xf32, #tpu.memory_space<hbm>>)
    %dma_wait3A_77 = arith.constant 0 : i32
    %dma_wait3A_78 = tpu.memref_slice %arg4[%mul3A_2, %dma_wait3A_77] : memref<204800x128xf32, #tpu.memory_space<hbm>> -> memref<128x128xf32, #tpu.memory_space<hbm>>
    %dma_wait3A_79 = arith.constant 0 : i32
    %dma_wait3A_80 = tpu.memref_slice %arg4[%mul3A_2, %dma_wait3A_79] : memref<204800x128xf32, #tpu.memory_space<hbm>> -> memref<128x128xf32, #tpu.memory_space<hbm>>
    tpu.wait_dma2 semaphore(%arg13 : memref<!tpu.dma_semaphore, #tpu.memory_space<semaphore_mem>>) src(%arg6 : memref<128x128xf32, #tpu.memory_space<vmem>>) dst(%dma_wait3A_80 : memref<128x128xf32, #tpu.memory_space<hbm>>)
    %dma_start3A_81 = arith.constant 6 : i32
    %dma_start3A_82 = arith.constant 0 : i32
    %dma_start3A_83 = tpu.memref_slice %arg5[%dma_start3A_81, %dma_start3A_82] : memref<50x128xi32, #tpu.memory_space<vmem>> -> memref<1x128xi32, #tpu.memory_space<vmem>>
    %dma_start3A_84 = tpu.memref_squeeze %dma_start3A_83 : memref<1x128xi32, #tpu.memory_space<vmem>> -> memref<128xi32, #tpu.memory_space<vmem>>
    %dma_start3A_85 = arith.constant 0 : i32
    %dma_start3A_86 = arith.constant 0 : i32
    %dma_start3A_87 = tpu.memref_slice %arg2[%dma_start3A_85, %dma_start3A_86] : memref<100000x128xf32, #tpu.memory_space<hbm>> -> memref<100000x128xf32, #tpu.memory_space<hbm>>
    tpu.enqueue_indirect_dma source(%dma_start3A_87 : memref<100000x128xf32, #tpu.memory_space<hbm>>) target(%arg6 : memref<128x128xf32, #tpu.memory_space<vmem>>) offsets(%dma_start3A_84 : memref<128xi32, #tpu.memory_space<vmem>>) semaphore(%arg12 : memref<!tpu.dma_semaphore, #tpu.memory_space<semaphore_mem>>)
    %add3A_88 = arith.constant 384 : i32
    %add3A_89 = arith.addi %mul3A_2, %add3A_88 : i32
    %dma_start3A_90 = arith.constant 0 : i32
    %dma_start3A_91 = tpu.memref_slice %arg4[%add3A_89, %dma_start3A_90] : memref<204800x128xf32, #tpu.memory_space<hbm>> -> memref<128x128xf32, #tpu.memory_space<hbm>>
    %dma_start3A_92 = arith.constant 0 : i32
    %dma_start3A_93 = tpu.memref_slice %arg4[%add3A_89, %dma_start3A_92] : memref<204800x128xf32, #tpu.memory_space<hbm>> -> memref<128x128xf32, #tpu.memory_space<hbm>>
    tpu.enqueue_dma source(%arg9 : memref<128x128xf32, #tpu.memory_space<vmem>>) target(%dma_start3A_93 : memref<128x128xf32, #tpu.memory_space<hbm>>) target_semaphore(%arg13 : memref<!tpu.dma_semaphore, #tpu.memory_space<semaphore_mem>>)
    %dma_wait3A_94 = arith.constant 0 : i32
    %dma_wait3A_95 = tpu.memref_slice %arg4[%mul3A_2, %dma_wait3A_94] : memref<204800x128xf32, #tpu.memory_space<hbm>> -> memref<128x128xf32, #tpu.memory_space<hbm>>
    %dma_wait3A_96 = arith.constant 0 : i32
    %dma_wait3A_97 = tpu.memref_slice %arg4[%mul3A_2, %dma_wait3A_96] : memref<204800x128xf32, #tpu.memory_space<hbm>> -> memref<128x128xf32, #tpu.memory_space<hbm>>
    tpu.wait_dma2 semaphore(%arg12 : memref<!tpu.dma_semaphore, #tpu.memory_space<semaphore_mem>>) src(%arg6 : memref<128x128xf32, #tpu.memory_space<vmem>>) dst(%dma_wait3A_97 : memref<128x128xf32, #tpu.memory_space<hbm>>)
    %dma_wait3A_98 = arith.constant 0 : i32
    %dma_wait3A_99 = tpu.memref_slice %arg4[%mul3A_2, %dma_wait3A_98] : memref<204800x128xf32, #tpu.memory_space<hbm>> -> memref<128x128xf32, #tpu.memory_space<hbm>>
    %dma_wait3A_100 = arith.constant 0 : i32
    %dma_wait3A_101 = tpu.memref_slice %arg4[%mul3A_2, %dma_wait3A_100] : memref<204800x128xf32, #tpu.memory_space<hbm>> -> memref<128x128xf32, #tpu.memory_space<hbm>>
    tpu.wait_dma2 semaphore(%arg13 : memref<!tpu.dma_semaphore, #tpu.memory_space<semaphore_mem>>) src(%arg6 : memref<128x128xf32, #tpu.memory_space<vmem>>) dst(%dma_wait3A_101 : memref<128x128xf32, #tpu.memory_space<hbm>>)
    %dma_start3A_102 = arith.constant 7 : i32
    %dma_start3A_103 = arith.constant 0 : i32
    %dma_start3A_104 = tpu.memref_slice %arg5[%dma_start3A_102, %dma_start3A_103] : memref<50x128xi32, #tpu.memory_space<vmem>> -> memref<1x128xi32, #tpu.memory_space<vmem>>
    %dma_start3A_105 = tpu.memref_squeeze %dma_start3A_104 : memref<1x128xi32, #tpu.memory_space<vmem>> -> memref<128xi32, #tpu.memory_space<vmem>>
    %dma_start3A_106 = arith.constant 0 : i32
    %dma_start3A_107 = arith.constant 0 : i32
    %dma_start3A_108 = tpu.memref_slice %arg2[%dma_start3A_106, %dma_start3A_107] : memref<100000x128xf32, #tpu.memory_space<hbm>> -> memref<100000x128xf32, #tpu.memory_space<hbm>>
    tpu.enqueue_indirect_dma source(%dma_start3A_108 : memref<100000x128xf32, #tpu.memory_space<hbm>>) target(%arg7 : memref<128x128xf32, #tpu.memory_space<vmem>>) offsets(%dma_start3A_105 : memref<128xi32, #tpu.memory_space<vmem>>) semaphore(%arg12 : memref<!tpu.dma_semaphore, #tpu.memory_space<semaphore_mem>>)
    %add3A_109 = arith.constant 512 : i32
    %add3A_110 = arith.addi %mul3A_2, %add3A_109 : i32
    %dma_start3A_111 = arith.constant 0 : i32
    %dma_start3A_112 = tpu.memref_slice %arg4[%add3A_110, %dma_start3A_111] : memref<204800x128xf32, #tpu.memory_space<hbm>> -> memref<128x128xf32, #tpu.memory_space<hbm>>
    %dma_start3A_113 = arith.constant 0 : i32
    %dma_start3A_114 = tpu.memref_slice %arg4[%add3A_110, %dma_start3A_113] : memref<204800x128xf32, #tpu.memory_space<hbm>> -> memref<128x128xf32, #tpu.memory_space<hbm>>
    tpu.enqueue_dma source(%arg10 : memref<128x128xf32, #tpu.memory_space<vmem>>) target(%dma_start3A_114 : memref<128x128xf32, #tpu.memory_space<hbm>>) target_semaphore(%arg13 : memref<!tpu.dma_semaphore, #tpu.memory_space<semaphore_mem>>)
    %scan3A = arith.constant 0 : i32
    %scan3A_115 = arith.constant 0 : i32
    %scan3A_116 = arith.constant 7 : i32
    %scan3A_117 = arith.addi %scan3A_115, %scan3A_116 : i32
    %scan3A_118 = arith.constant 1 : i32
    scf.for %scan3A_174 = %scan3A_115 to %scan3A_117 step %scan3A_118  : i32 {
      %mul3A_175 = arith.constant 6 : i32
      %mul3A_176 = arith.muli %mul3A_175, %scan3A_174 : i32
      %add3A_177 = arith.constant 5 : i32
      %add3A_178 = arith.addi %add3A_177, %mul3A_176 : i32
      %add3A_179 = arith.constant 0 : i32
      %add3A_180 = arith.addi %add3A_178, %add3A_179 : i32
      %dma_wait3A_181 = arith.constant 0 : i32
      %dma_wait3A_182 = tpu.memref_slice %arg4[%mul3A_2, %dma_wait3A_181] : memref<204800x128xf32, #tpu.memory_space<hbm>> -> memref<128x128xf32, #tpu.memory_space<hbm>>
      %dma_wait3A_183 = arith.constant 0 : i32
      %dma_wait3A_184 = tpu.memref_slice %arg4[%mul3A_2, %dma_wait3A_183] : memref<204800x128xf32, #tpu.memory_space<hbm>> -> memref<128x128xf32, #tpu.memory_space<hbm>>
      tpu.wait_dma2 semaphore(%arg12 : memref<!tpu.dma_semaphore, #tpu.memory_space<semaphore_mem>>) src(%arg6 : memref<128x128xf32, #tpu.memory_space<vmem>>) dst(%dma_wait3A_184 : memref<128x128xf32, #tpu.memory_space<hbm>>)
      %dma_wait3A_185 = arith.constant 0 : i32
      %dma_wait3A_186 = tpu.memref_slice %arg4[%mul3A_2, %dma_wait3A_185] : memref<204800x128xf32, #tpu.memory_space<hbm>> -> memref<128x128xf32, #tpu.memory_space<hbm>>
      %dma_wait3A_187 = arith.constant 0 : i32
      %dma_wait3A_188 = tpu.memref_slice %arg4[%mul3A_2, %dma_wait3A_187] : memref<204800x128xf32, #tpu.memory_space<hbm>> -> memref<128x128xf32, #tpu.memory_space<hbm>>
      tpu.wait_dma2 semaphore(%arg13 : memref<!tpu.dma_semaphore, #tpu.memory_space<semaphore_mem>>) src(%arg6 : memref<128x128xf32, #tpu.memory_space<vmem>>) dst(%dma_wait3A_188 : memref<128x128xf32, #tpu.memory_space<hbm>>)
      %add3A_189 = arith.constant 3 : i32
      %add3A_190 = arith.addi %add3A_180, %add3A_189 : i32
      %dma_start3A_191 = arith.constant 0 : i32
      %dma_start3A_192 = tpu.memref_slice %arg5[%add3A_190, %dma_start3A_191] : memref<50x128xi32, #tpu.memory_space<vmem>> -> memref<1x128xi32, #tpu.memory_space<vmem>>
      %dma_start3A_193 = tpu.memref_squeeze %dma_start3A_192 : memref<1x128xi32, #tpu.memory_space<vmem>> -> memref<128xi32, #tpu.memory_space<vmem>>
      %dma_start3A_194 = arith.constant 0 : i32
      %dma_start3A_195 = arith.constant 0 : i32
      %dma_start3A_196 = tpu.memref_slice %arg2[%dma_start3A_194, %dma_start3A_195] : memref<100000x128xf32, #tpu.memory_space<hbm>> -> memref<100000x128xf32, #tpu.memory_space<hbm>>
      tpu.enqueue_indirect_dma source(%dma_start3A_196 : memref<100000x128xf32, #tpu.memory_space<hbm>>) target(%arg8 : memref<128x128xf32, #tpu.memory_space<vmem>>) offsets(%dma_start3A_193 : memref<128xi32, #tpu.memory_space<vmem>>) semaphore(%arg12 : memref<!tpu.dma_semaphore, #tpu.memory_space<semaphore_mem>>)
      %mul3A_197 = arith.constant 128 : i32
      %mul3A_198 = arith.muli %add3A_180, %mul3A_197 : i32
      %add3A_199 = arith.addi %mul3A_2, %mul3A_198 : i32
      %dma_start3A_200 = arith.constant 0 : i32
      %dma_start3A_201 = tpu.memref_slice %arg4[%add3A_199, %dma_start3A_200] : memref<204800x128xf32, #tpu.memory_space<hbm>> -> memref<128x128xf32, #tpu.memory_space<hbm>>
      %dma_start3A_202 = arith.constant 0 : i32
      %dma_start3A_203 = tpu.memref_slice %arg4[%add3A_199, %dma_start3A_202] : memref<204800x128xf32, #tpu.memory_space<hbm>> -> memref<128x128xf32, #tpu.memory_space<hbm>>
      tpu.enqueue_dma source(%arg11 : memref<128x128xf32, #tpu.memory_space<vmem>>) target(%dma_start3A_203 : memref<128x128xf32, #tpu.memory_space<hbm>>) target_semaphore(%arg13 : memref<!tpu.dma_semaphore, #tpu.memory_space<semaphore_mem>>)
      %add3A_204 = arith.constant 1 : i32
      %add3A_205 = arith.addi %add3A_178, %add3A_204 : i32
      %dma_wait3A_206 = arith.constant 0 : i32
      %dma_wait3A_207 = tpu.memref_slice %arg4[%mul3A_2, %dma_wait3A_206] : memref<204800x128xf32, #tpu.memory_space<hbm>> -> memref<128x128xf32, #tpu.memory_space<hbm>>
      %dma_wait3A_208 = arith.constant 0 : i32
      %dma_wait3A_209 = tpu.memref_slice %arg4[%mul3A_2, %dma_wait3A_208] : memref<204800x128xf32, #tpu.memory_space<hbm>> -> memref<128x128xf32, #tpu.memory_space<hbm>>
      tpu.wait_dma2 semaphore(%arg12 : memref<!tpu.dma_semaphore, #tpu.memory_space<semaphore_mem>>) src(%arg6 : memref<128x128xf32, #tpu.memory_space<vmem>>) dst(%dma_wait3A_209 : memref<128x128xf32, #tpu.memory_space<hbm>>)
      %dma_wait3A_210 = arith.constant 0 : i32
      %dma_wait3A_211 = tpu.memref_slice %arg4[%mul3A_2, %dma_wait3A_210] : memref<204800x128xf32, #tpu.memory_space<hbm>> -> memref<128x128xf32, #tpu.memory_space<hbm>>
      %dma_wait3A_212 = arith.constant 0 : i32
      %dma_wait3A_213 = tpu.memref_slice %arg4[%mul3A_2, %dma_wait3A_212] : memref<204800x128xf32, #tpu.memory_space<hbm>> -> memref<128x128xf32, #tpu.memory_space<hbm>>
      tpu.wait_dma2 semaphore(%arg13 : memref<!tpu.dma_semaphore, #tpu.memory_space<semaphore_mem>>) src(%arg6 : memref<128x128xf32, #tpu.memory_space<vmem>>) dst(%dma_wait3A_213 : memref<128x128xf32, #tpu.memory_space<hbm>>)
      %add3A_214 = arith.constant 3 : i32
      %add3A_215 = arith.addi %add3A_205, %add3A_214 : i32
      %dma_start3A_216 = arith.constant 0 : i32
      %dma_start3A_217 = tpu.memref_slice %arg5[%add3A_215, %dma_start3A_216] : memref<50x128xi32, #tpu.memory_space<vmem>> -> memref<1x128xi32, #tpu.memory_space<vmem>>
      %dma_start3A_218 = tpu.memref_squeeze %dma_start3A_217 : memref<1x128xi32, #tpu.memory_space<vmem>> -> memref<128xi32, #tpu.memory_space<vmem>>
      %dma_start3A_219 = arith.constant 0 : i32
      %dma_start3A_220 = arith.constant 0 : i32
      %dma_start3A_221 = tpu.memref_slice %arg2[%dma_start3A_219, %dma_start3A_220] : memref<100000x128xf32, #tpu.memory_space<hbm>> -> memref<100000x128xf32, #tpu.memory_space<hbm>>
      tpu.enqueue_indirect_dma source(%dma_start3A_221 : memref<100000x128xf32, #tpu.memory_space<hbm>>) target(%arg9 : memref<128x128xf32, #tpu.memory_space<vmem>>) offsets(%dma_start3A_218 : memref<128xi32, #tpu.memory_space<vmem>>) semaphore(%arg12 : memref<!tpu.dma_semaphore, #tpu.memory_space<semaphore_mem>>)
      %mul3A_222 = arith.constant 128 : i32
      %mul3A_223 = arith.muli %add3A_205, %mul3A_222 : i32
      %add3A_224 = arith.addi %mul3A_2, %mul3A_223 : i32
      %dma_start3A_225 = arith.constant 0 : i32
      %dma_start3A_226 = tpu.memref_slice %arg4[%add3A_224, %dma_start3A_225] : memref<204800x128xf32, #tpu.memory_space<hbm>> -> memref<128x128xf32, #tpu.memory_space<hbm>>
      %dma_start3A_227 = arith.constant 0 : i32
      %dma_start3A_228 = tpu.memref_slice %arg4[%add3A_224, %dma_start3A_227] : memref<204800x128xf32, #tpu.memory_space<hbm>> -> memref<128x128xf32, #tpu.memory_space<hbm>>
      tpu.enqueue_dma source(%arg6 : memref<128x128xf32, #tpu.memory_space<vmem>>) target(%dma_start3A_228 : memref<128x128xf32, #tpu.memory_space<hbm>>) target_semaphore(%arg13 : memref<!tpu.dma_semaphore, #tpu.memory_space<semaphore_mem>>)
      %add3A_229 = arith.constant 2 : i32
      %add3A_230 = arith.addi %add3A_178, %add3A_229 : i32
      %dma_wait3A_231 = arith.constant 0 : i32
      %dma_wait3A_232 = tpu.memref_slice %arg4[%mul3A_2, %dma_wait3A_231] : memref<204800x128xf32, #tpu.memory_space<hbm>> -> memref<128x128xf32, #tpu.memory_space<hbm>>
      %dma_wait3A_233 = arith.constant 0 : i32
      %dma_wait3A_234 = tpu.memref_slice %arg4[%mul3A_2, %dma_wait3A_233] : memref<204800x128xf32, #tpu.memory_space<hbm>> -> memref<128x128xf32, #tpu.memory_space<hbm>>
      tpu.wait_dma2 semaphore(%arg12 : memref<!tpu.dma_semaphore, #tpu.memory_space<semaphore_mem>>) src(%arg6 : memref<128x128xf32, #tpu.memory_space<vmem>>) dst(%dma_wait3A_234 : memref<128x128xf32, #tpu.memory_space<hbm>>)
      %dma_wait3A_235 = arith.constant 0 : i32
      %dma_wait3A_236 = tpu.memref_slice %arg4[%mul3A_2, %dma_wait3A_235] : memref<204800x128xf32, #tpu.memory_space<hbm>> -> memref<128x128xf32, #tpu.memory_space<hbm>>
      %dma_wait3A_237 = arith.constant 0 : i32
      %dma_wait3A_238 = tpu.memref_slice %arg4[%mul3A_2, %dma_wait3A_237] : memref<204800x128xf32, #tpu.memory_space<hbm>> -> memref<128x128xf32, #tpu.memory_space<hbm>>
      tpu.wait_dma2 semaphore(%arg13 : memref<!tpu.dma_semaphore, #tpu.memory_space<semaphore_mem>>) src(%arg6 : memref<128x128xf32, #tpu.memory_space<vmem>>) dst(%dma_wait3A_238 : memref<128x128xf32, #tpu.memory_space<hbm>>)
      %add3A_239 = arith.constant 3 : i32
      %add3A_240 = arith.addi %add3A_230, %add3A_239 : i32
      %dma_start3A_241 = arith.constant 0 : i32
      %dma_start3A_242 = tpu.memref_slice %arg5[%add3A_240, %dma_start3A_241] : memref<50x128xi32, #tpu.memory_space<vmem>> -> memref<1x128xi32, #tpu.memory_space<vmem>>
      %dma_start3A_243 = tpu.memref_squeeze %dma_start3A_242 : memref<1x128xi32, #tpu.memory_space<vmem>> -> memref<128xi32, #tpu.memory_space<vmem>>
      %dma_start3A_244 = arith.constant 0 : i32
      %dma_start3A_245 = arith.constant 0 : i32
      %dma_start3A_246 = tpu.memref_slice %arg2[%dma_start3A_244, %dma_start3A_245] : memref<100000x128xf32, #tpu.memory_space<hbm>> -> memref<100000x128xf32, #tpu.memory_space<hbm>>
      tpu.enqueue_indirect_dma source(%dma_start3A_246 : memref<100000x128xf32, #tpu.memory_space<hbm>>) target(%arg10 : memref<128x128xf32, #tpu.memory_space<vmem>>) offsets(%dma_start3A_243 : memref<128xi32, #tpu.memory_space<vmem>>) semaphore(%arg12 : memref<!tpu.dma_semaphore, #tpu.memory_space<semaphore_mem>>)
      %mul3A_247 = arith.constant 128 : i32
      %mul3A_248 = arith.muli %add3A_230, %mul3A_247 : i32
      %add3A_249 = arith.addi %mul3A_2, %mul3A_248 : i32
      %dma_start3A_250 = arith.constant 0 : i32
      %dma_start3A_251 = tpu.memref_slice %arg4[%add3A_249, %dma_start3A_250] : memref<204800x128xf32, #tpu.memory_space<hbm>> -> memref<128x128xf32, #tpu.memory_space<hbm>>
      %dma_start3A_252 = arith.constant 0 : i32
      %dma_start3A_253 = tpu.memref_slice %arg4[%add3A_249, %dma_start3A_252] : memref<204800x128xf32, #tpu.memory_space<hbm>> -> memref<128x128xf32, #tpu.memory_space<hbm>>
      tpu.enqueue_dma source(%arg7 : memref<128x128xf32, #tpu.memory_space<vmem>>) target(%dma_start3A_253 : memref<128x128xf32, #tpu.memory_space<hbm>>) target_semaphore(%arg13 : memref<!tpu.dma_semaphore, #tpu.memory_space<semaphore_mem>>)
      %add3A_254 = arith.constant 3 : i32
      %add3A_255 = arith.addi %add3A_178, %add3A_254 : i32
      %dma_wait3A_256 = arith.constant 0 : i32
      %dma_wait3A_257 = tpu.memref_slice %arg4[%mul3A_2, %dma_wait3A_256] : memref<204800x128xf32, #tpu.memory_space<hbm>> -> memref<128x128xf32, #tpu.memory_space<hbm>>
      %dma_wait3A_258 = arith.constant 0 : i32
      %dma_wait3A_259 = tpu.memref_slice %arg4[%mul3A_2, %dma_wait3A_258] : memref<204800x128xf32, #tpu.memory_space<hbm>> -> memref<128x128xf32, #tpu.memory_space<hbm>>
      tpu.wait_dma2 semaphore(%arg12 : memref<!tpu.dma_semaphore, #tpu.memory_space<semaphore_mem>>) src(%arg6 : memref<128x128xf32, #tpu.memory_space<vmem>>) dst(%dma_wait3A_259 : memref<128x128xf32, #tpu.memory_space<hbm>>)
      %dma_wait3A_260 = arith.constant 0 : i32
      %dma_wait3A_261 = tpu.memref_slice %arg4[%mul3A_2, %dma_wait3A_260] : memref<204800x128xf32, #tpu.memory_space<hbm>> -> memref<128x128xf32, #tpu.memory_space<hbm>>
      %dma_wait3A_262 = arith.constant 0 : i32
      %dma_wait3A_263 = tpu.memref_slice %arg4[%mul3A_2, %dma_wait3A_262] : memref<204800x128xf32, #tpu.memory_space<hbm>> -> memref<128x128xf32, #tpu.memory_space<hbm>>
      tpu.wait_dma2 semaphore(%arg13 : memref<!tpu.dma_semaphore, #tpu.memory_space<semaphore_mem>>) src(%arg6 : memref<128x128xf32, #tpu.memory_space<vmem>>) dst(%dma_wait3A_263 : memref<128x128xf32, #tpu.memory_space<hbm>>)
      %add3A_264 = arith.constant 3 : i32
      %add3A_265 = arith.addi %add3A_255, %add3A_264 : i32
      %dma_start3A_266 = arith.constant 0 : i32
      %dma_start3A_267 = tpu.memref_slice %arg5[%add3A_265, %dma_start3A_266] : memref<50x128xi32, #tpu.memory_space<vmem>> -> memref<1x128xi32, #tpu.memory_space<vmem>>
      %dma_start3A_268 = tpu.memref_squeeze %dma_start3A_267 : memref<1x128xi32, #tpu.memory_space<vmem>> -> memref<128xi32, #tpu.memory_space<vmem>>
      %dma_start3A_269 = arith.constant 0 : i32
      %dma_start3A_270 = arith.constant 0 : i32
      %dma_start3A_271 = tpu.memref_slice %arg2[%dma_start3A_269, %dma_start3A_270] : memref<100000x128xf32, #tpu.memory_space<hbm>> -> memref<100000x128xf32, #tpu.memory_space<hbm>>
      tpu.enqueue_indirect_dma source(%dma_start3A_271 : memref<100000x128xf32, #tpu.memory_space<hbm>>) target(%arg11 : memref<128x128xf32, #tpu.memory_space<vmem>>) offsets(%dma_start3A_268 : memref<128xi32, #tpu.memory_space<vmem>>) semaphore(%arg12 : memref<!tpu.dma_semaphore, #tpu.memory_space<semaphore_mem>>)
      %mul3A_272 = arith.constant 128 : i32
      %mul3A_273 = arith.muli %add3A_255, %mul3A_272 : i32
      %add3A_274 = arith.addi %mul3A_2, %mul3A_273 : i32
      %dma_start3A_275 = arith.constant 0 : i32
      %dma_start3A_276 = tpu.memref_slice %arg4[%add3A_274, %dma_start3A_275] : memref<204800x128xf32, #tpu.memory_space<hbm>> -> memref<128x128xf32, #tpu.memory_space<hbm>>
      %dma_start3A_277 = arith.constant 0 : i32
      %dma_start3A_278 = tpu.memref_slice %arg4[%add3A_274, %dma_start3A_277] : memref<204800x128xf32, #tpu.memory_space<hbm>> -> memref<128x128xf32, #tpu.memory_space<hbm>>
      tpu.enqueue_dma source(%arg8 : memref<128x128xf32, #tpu.memory_space<vmem>>) target(%dma_start3A_278 : memref<128x128xf32, #tpu.memory_space<hbm>>) target_semaphore(%arg13 : memref<!tpu.dma_semaphore, #tpu.memory_space<semaphore_mem>>)
      %add3A_279 = arith.constant 4 : i32
      %add3A_280 = arith.addi %add3A_178, %add3A_279 : i32
      %dma_wait3A_281 = arith.constant 0 : i32
      %dma_wait3A_282 = tpu.memref_slice %arg4[%mul3A_2, %dma_wait3A_281] : memref<204800x128xf32, #tpu.memory_space<hbm>> -> memref<128x128xf32, #tpu.memory_space<hbm>>
      %dma_wait3A_283 = arith.constant 0 : i32
      %dma_wait3A_284 = tpu.memref_slice %arg4[%mul3A_2, %dma_wait3A_283] : memref<204800x128xf32, #tpu.memory_space<hbm>> -> memref<128x128xf32, #tpu.memory_space<hbm>>
      tpu.wait_dma2 semaphore(%arg12 : memref<!tpu.dma_semaphore, #tpu.memory_space<semaphore_mem>>) src(%arg6 : memref<128x128xf32, #tpu.memory_space<vmem>>) dst(%dma_wait3A_284 : memref<128x128xf32, #tpu.memory_space<hbm>>)
      %dma_wait3A_285 = arith.constant 0 : i32
      %dma_wait3A_286 = tpu.memref_slice %arg4[%mul3A_2, %dma_wait3A_285] : memref<204800x128xf32, #tpu.memory_space<hbm>> -> memref<128x128xf32, #tpu.memory_space<hbm>>
      %dma_wait3A_287 = arith.constant 0 : i32
      %dma_wait3A_288 = tpu.memref_slice %arg4[%mul3A_2, %dma_wait3A_287] : memref<204800x128xf32, #tpu.memory_space<hbm>> -> memref<128x128xf32, #tpu.memory_space<hbm>>
      tpu.wait_dma2 semaphore(%arg13 : memref<!tpu.dma_semaphore, #tpu.memory_space<semaphore_mem>>) src(%arg6 : memref<128x128xf32, #tpu.memory_space<vmem>>) dst(%dma_wait3A_288 : memref<128x128xf32, #tpu.memory_space<hbm>>)
      %add3A_289 = arith.constant 3 : i32
      %add3A_290 = arith.addi %add3A_280, %add3A_289 : i32
      %dma_start3A_291 = arith.constant 0 : i32
      %dma_start3A_292 = tpu.memref_slice %arg5[%add3A_290, %dma_start3A_291] : memref<50x128xi32, #tpu.memory_space<vmem>> -> memref<1x128xi32, #tpu.memory_space<vmem>>
      %dma_start3A_293 = tpu.memref_squeeze %dma_start3A_292 : memref<1x128xi32, #tpu.memory_space<vmem>> -> memref<128xi32, #tpu.memory_space<vmem>>
      %dma_start3A_294 = arith.constant 0 : i32
      %dma_start3A_295 = arith.constant 0 : i32
      %dma_start3A_296 = tpu.memref_slice %arg2[%dma_start3A_294, %dma_start3A_295] : memref<100000x128xf32, #tpu.memory_space<hbm>> -> memref<100000x128xf32, #tpu.memory_space<hbm>>
      tpu.enqueue_indirect_dma source(%dma_start3A_296 : memref<100000x128xf32, #tpu.memory_space<hbm>>) target(%arg6 : memref<128x128xf32, #tpu.memory_space<vmem>>) offsets(%dma_start3A_293 : memref<128xi32, #tpu.memory_space<vmem>>) semaphore(%arg12 : memref<!tpu.dma_semaphore, #tpu.memory_space<semaphore_mem>>)
      %mul3A_297 = arith.constant 128 : i32
      %mul3A_298 = arith.muli %add3A_280, %mul3A_297 : i32
      %add3A_299 = arith.addi %mul3A_2, %mul3A_298 : i32
      %dma_start3A_300 = arith.constant 0 : i32
      %dma_start3A_301 = tpu.memref_slice %arg4[%add3A_299, %dma_start3A_300] : memref<204800x128xf32, #tpu.memory_space<hbm>> -> memref<128x128xf32, #tpu.memory_space<hbm>>
      %dma_start3A_302 = arith.constant 0 : i32
      %dma_start3A_303 = tpu.memref_slice %arg4[%add3A_299, %dma_start3A_302] : memref<204800x128xf32, #tpu.memory_space<hbm>> -> memref<128x128xf32, #tpu.memory_space<hbm>>
      tpu.enqueue_dma source(%arg9 : memref<128x128xf32, #tpu.memory_space<vmem>>) target(%dma_start3A_303 : memref<128x128xf32, #tpu.memory_space<hbm>>) target_semaphore(%arg13 : memref<!tpu.dma_semaphore, #tpu.memory_space<semaphore_mem>>)
      %add3A_304 = arith.constant 5 : i32
      %add3A_305 = arith.addi %add3A_178, %add3A_304 : i32
      %dma_wait3A_306 = arith.constant 0 : i32
      %dma_wait3A_307 = tpu.memref_slice %arg4[%mul3A_2, %dma_wait3A_306] : memref<204800x128xf32, #tpu.memory_space<hbm>> -> memref<128x128xf32, #tpu.memory_space<hbm>>
      %dma_wait3A_308 = arith.constant 0 : i32
      %dma_wait3A_309 = tpu.memref_slice %arg4[%mul3A_2, %dma_wait3A_308] : memref<204800x128xf32, #tpu.memory_space<hbm>> -> memref<128x128xf32, #tpu.memory_space<hbm>>
      tpu.wait_dma2 semaphore(%arg12 : memref<!tpu.dma_semaphore, #tpu.memory_space<semaphore_mem>>) src(%arg6 : memref<128x128xf32, #tpu.memory_space<vmem>>) dst(%dma_wait3A_309 : memref<128x128xf32, #tpu.memory_space<hbm>>)
      %dma_wait3A_310 = arith.constant 0 : i32
      %dma_wait3A_311 = tpu.memref_slice %arg4[%mul3A_2, %dma_wait3A_310] : memref<204800x128xf32, #tpu.memory_space<hbm>> -> memref<128x128xf32, #tpu.memory_space<hbm>>
      %dma_wait3A_312 = arith.constant 0 : i32
      %dma_wait3A_313 = tpu.memref_slice %arg4[%mul3A_2, %dma_wait3A_312] : memref<204800x128xf32, #tpu.memory_space<hbm>> -> memref<128x128xf32, #tpu.memory_space<hbm>>
      tpu.wait_dma2 semaphore(%arg13 : memref<!tpu.dma_semaphore, #tpu.memory_space<semaphore_mem>>) src(%arg6 : memref<128x128xf32, #tpu.memory_space<vmem>>) dst(%dma_wait3A_313 : memref<128x128xf32, #tpu.memory_space<hbm>>)
      %add3A_314 = arith.constant 3 : i32
      %add3A_315 = arith.addi %add3A_305, %add3A_314 : i32
      %dma_start3A_316 = arith.constant 0 : i32
      %dma_start3A_317 = tpu.memref_slice %arg5[%add3A_315, %dma_start3A_316] : memref<50x128xi32, #tpu.memory_space<vmem>> -> memref<1x128xi32, #tpu.memory_space<vmem>>
      %dma_start3A_318 = tpu.memref_squeeze %dma_start3A_317 : memref<1x128xi32, #tpu.memory_space<vmem>> -> memref<128xi32, #tpu.memory_space<vmem>>
      %dma_start3A_319 = arith.constant 0 : i32
      %dma_start3A_320 = arith.constant 0 : i32
      %dma_start3A_321 = tpu.memref_slice %arg2[%dma_start3A_319, %dma_start3A_320] : memref<100000x128xf32, #tpu.memory_space<hbm>> -> memref<100000x128xf32, #tpu.memory_space<hbm>>
      tpu.enqueue_indirect_dma source(%dma_start3A_321 : memref<100000x128xf32, #tpu.memory_space<hbm>>) target(%arg7 : memref<128x128xf32, #tpu.memory_space<vmem>>) offsets(%dma_start3A_318 : memref<128xi32, #tpu.memory_space<vmem>>) semaphore(%arg12 : memref<!tpu.dma_semaphore, #tpu.memory_space<semaphore_mem>>)
      %mul3A_322 = arith.constant 128 : i32
      %mul3A_323 = arith.muli %add3A_305, %mul3A_322 : i32
      %add3A_324 = arith.addi %mul3A_2, %mul3A_323 : i32
      %dma_start3A_325 = arith.constant 0 : i32
      %dma_start3A_326 = tpu.memref_slice %arg4[%add3A_324, %dma_start3A_325] : memref<204800x128xf32, #tpu.memory_space<hbm>> -> memref<128x128xf32, #tpu.memory_space<hbm>>
      %dma_start3A_327 = arith.constant 0 : i32
      %dma_start3A_328 = tpu.memref_slice %arg4[%add3A_324, %dma_start3A_327] : memref<204800x128xf32, #tpu.memory_space<hbm>> -> memref<128x128xf32, #tpu.memory_space<hbm>>
      tpu.enqueue_dma source(%arg10 : memref<128x128xf32, #tpu.memory_space<vmem>>) target(%dma_start3A_328 : memref<128x128xf32, #tpu.memory_space<hbm>>) target_semaphore(%arg13 : memref<!tpu.dma_semaphore, #tpu.memory_space<semaphore_mem>>)
    }
    %scan3A_119 = arith.constant 7 : i32
    %dma_wait3A_120 = arith.constant 0 : i32
    %dma_wait3A_121 = tpu.memref_slice %arg4[%mul3A_2, %dma_wait3A_120] : memref<204800x128xf32, #tpu.memory_space<hbm>> -> memref<128x128xf32, #tpu.memory_space<hbm>>
    %dma_wait3A_122 = arith.constant 0 : i32
    %dma_wait3A_123 = tpu.memref_slice %arg4[%mul3A_2, %dma_wait3A_122] : memref<204800x128xf32, #tpu.memory_space<hbm>> -> memref<128x128xf32, #tpu.memory_space<hbm>>
    tpu.wait_dma2 semaphore(%arg12 : memref<!tpu.dma_semaphore, #tpu.memory_space<semaphore_mem>>) src(%arg6 : memref<128x128xf32, #tpu.memory_space<vmem>>) dst(%dma_wait3A_123 : memref<128x128xf32, #tpu.memory_space<hbm>>)
    %dma_wait3A_124 = arith.constant 0 : i32
    %dma_wait3A_125 = tpu.memref_slice %arg4[%mul3A_2, %dma_wait3A_124] : memref<204800x128xf32, #tpu.memory_space<hbm>> -> memref<128x128xf32, #tpu.memory_space<hbm>>
    %dma_wait3A_126 = arith.constant 0 : i32
    %dma_wait3A_127 = tpu.memref_slice %arg4[%mul3A_2, %dma_wait3A_126] : memref<204800x128xf32, #tpu.memory_space<hbm>> -> memref<128x128xf32, #tpu.memory_space<hbm>>
    tpu.wait_dma2 semaphore(%arg13 : memref<!tpu.dma_semaphore, #tpu.memory_space<semaphore_mem>>) src(%arg6 : memref<128x128xf32, #tpu.memory_space<vmem>>) dst(%dma_wait3A_127 : memref<128x128xf32, #tpu.memory_space<hbm>>)
    %add3A_128 = arith.constant 6016 : i32
    %add3A_129 = arith.addi %mul3A_2, %add3A_128 : i32
    %dma_start3A_130 = arith.constant 0 : i32
    %dma_start3A_131 = tpu.memref_slice %arg4[%add3A_129, %dma_start3A_130] : memref<204800x128xf32, #tpu.memory_space<hbm>> -> memref<128x128xf32, #tpu.memory_space<hbm>>
    %dma_start3A_132 = arith.constant 0 : i32
    %dma_start3A_133 = tpu.memref_slice %arg4[%add3A_129, %dma_start3A_132] : memref<204800x128xf32, #tpu.memory_space<hbm>> -> memref<128x128xf32, #tpu.memory_space<hbm>>
    tpu.enqueue_dma source(%arg11 : memref<128x128xf32, #tpu.memory_space<vmem>>) target(%dma_start3A_133 : memref<128x128xf32, #tpu.memory_space<hbm>>) target_semaphore(%arg13 : memref<!tpu.dma_semaphore, #tpu.memory_space<semaphore_mem>>)
    %dma_wait3A_134 = arith.constant 0 : i32
    %dma_wait3A_135 = tpu.memref_slice %arg4[%mul3A_2, %dma_wait3A_134] : memref<204800x128xf32, #tpu.memory_space<hbm>> -> memref<128x128xf32, #tpu.memory_space<hbm>>
    %dma_wait3A_136 = arith.constant 0 : i32
    %dma_wait3A_137 = tpu.memref_slice %arg4[%mul3A_2, %dma_wait3A_136] : memref<204800x128xf32, #tpu.memory_space<hbm>> -> memref<128x128xf32, #tpu.memory_space<hbm>>
    tpu.wait_dma2 semaphore(%arg12 : memref<!tpu.dma_semaphore, #tpu.memory_space<semaphore_mem>>) src(%arg6 : memref<128x128xf32, #tpu.memory_space<vmem>>) dst(%dma_wait3A_137 : memref<128x128xf32, #tpu.memory_space<hbm>>)
    %dma_wait3A_138 = arith.constant 0 : i32
    %dma_wait3A_139 = tpu.memref_slice %arg4[%mul3A_2, %dma_wait3A_138] : memref<204800x128xf32, #tpu.memory_space<hbm>> -> memref<128x128xf32, #tpu.memory_space<hbm>>
    %dma_wait3A_140 = arith.constant 0 : i32
    %dma_wait3A_141 = tpu.memref_slice %arg4[%mul3A_2, %dma_wait3A_140] : memref<204800x128xf32, #tpu.memory_space<hbm>> -> memref<128x128xf32, #tpu.memory_space<hbm>>
    tpu.wait_dma2 semaphore(%arg13 : memref<!tpu.dma_semaphore, #tpu.memory_space<semaphore_mem>>) src(%arg6 : memref<128x128xf32, #tpu.memory_space<vmem>>) dst(%dma_wait3A_141 : memref<128x128xf32, #tpu.memory_space<hbm>>)
    %add3A_142 = arith.constant 6144 : i32
    %add3A_143 = arith.addi %mul3A_2, %add3A_142 : i32
    %dma_start3A_144 = arith.constant 0 : i32
    %dma_start3A_145 = tpu.memref_slice %arg4[%add3A_143, %dma_start3A_144] : memref<204800x128xf32, #tpu.memory_space<hbm>> -> memref<128x128xf32, #tpu.memory_space<hbm>>
    %dma_start3A_146 = arith.constant 0 : i32
    %dma_start3A_147 = tpu.memref_slice %arg4[%add3A_143, %dma_start3A_146] : memref<204800x128xf32, #tpu.memory_space<hbm>> -> memref<128x128xf32, #tpu.memory_space<hbm>>
    tpu.enqueue_dma source(%arg6 : memref<128x128xf32, #tpu.memory_space<vmem>>) target(%dma_start3A_147 : memref<128x128xf32, #tpu.memory_space<hbm>>) target_semaphore(%arg13 : memref<!tpu.dma_semaphore, #tpu.memory_space<semaphore_mem>>)
    %dma_wait3A_148 = arith.constant 0 : i32
    %dma_wait3A_149 = tpu.memref_slice %arg4[%mul3A_2, %dma_wait3A_148] : memref<204800x128xf32, #tpu.memory_space<hbm>> -> memref<128x128xf32, #tpu.memory_space<hbm>>
    %dma_wait3A_150 = arith.constant 0 : i32
    %dma_wait3A_151 = tpu.memref_slice %arg4[%mul3A_2, %dma_wait3A_150] : memref<204800x128xf32, #tpu.memory_space<hbm>> -> memref<128x128xf32, #tpu.memory_space<hbm>>
    tpu.wait_dma2 semaphore(%arg12 : memref<!tpu.dma_semaphore, #tpu.memory_space<semaphore_mem>>) src(%arg6 : memref<128x128xf32, #tpu.memory_space<vmem>>) dst(%dma_wait3A_151 : memref<128x128xf32, #tpu.memory_space<hbm>>)
    %dma_wait3A_152 = arith.constant 0 : i32
    %dma_wait3A_153 = tpu.memref_slice %arg4[%mul3A_2, %dma_wait3A_152] : memref<204800x128xf32, #tpu.memory_space<hbm>> -> memref<128x128xf32, #tpu.memory_space<hbm>>
    %dma_wait3A_154 = arith.constant 0 : i32
    %dma_wait3A_155 = tpu.memref_slice %arg4[%mul3A_2, %dma_wait3A_154] : memref<204800x128xf32, #tpu.memory_space<hbm>> -> memref<128x128xf32, #tpu.memory_space<hbm>>
    tpu.wait_dma2 semaphore(%arg13 : memref<!tpu.dma_semaphore, #tpu.memory_space<semaphore_mem>>) src(%arg6 : memref<128x128xf32, #tpu.memory_space<vmem>>) dst(%dma_wait3A_155 : memref<128x128xf32, #tpu.memory_space<hbm>>)
    %add3A_156 = arith.constant 6272 : i32
    %add3A_157 = arith.addi %mul3A_2, %add3A_156 : i32
    %dma_start3A_158 = arith.constant 0 : i32
    %dma_start3A_159 = tpu.memref_slice %arg4[%add3A_157, %dma_start3A_158] : memref<204800x128xf32, #tpu.memory_space<hbm>> -> memref<128x128xf32, #tpu.memory_space<hbm>>
    %dma_start3A_160 = arith.constant 0 : i32
    %dma_start3A_161 = tpu.memref_slice %arg4[%add3A_157, %dma_start3A_160] : memref<204800x128xf32, #tpu.memory_space<hbm>> -> memref<128x128xf32, #tpu.memory_space<hbm>>
    tpu.enqueue_dma source(%arg7 : memref<128x128xf32, #tpu.memory_space<vmem>>) target(%dma_start3A_161 : memref<128x128xf32, #tpu.memory_space<hbm>>) target_semaphore(%arg13 : memref<!tpu.dma_semaphore, #tpu.memory_space<semaphore_mem>>)
    %dma_wait3A_162 = arith.constant 0 : i32
    %dma_wait3A_163 = tpu.memref_slice %arg4[%mul3A_2, %dma_wait3A_162] : memref<204800x128xf32, #tpu.memory_space<hbm>> -> memref<128x128xf32, #tpu.memory_space<hbm>>
    %dma_wait3A_164 = arith.constant 0 : i32
    %dma_wait3A_165 = tpu.memref_slice %arg4[%mul3A_2, %dma_wait3A_164] : memref<204800x128xf32, #tpu.memory_space<hbm>> -> memref<128x128xf32, #tpu.memory_space<hbm>>
    tpu.wait_dma2 semaphore(%arg13 : memref<!tpu.dma_semaphore, #tpu.memory_space<semaphore_mem>>) src(%arg6 : memref<128x128xf32, #tpu.memory_space<vmem>>) dst(%dma_wait3A_165 : memref<128x128xf32, #tpu.memory_space<hbm>>)
    %dma_wait3A_166 = arith.constant 0 : i32
    %dma_wait3A_167 = tpu.memref_slice %arg4[%mul3A_2, %dma_wait3A_166] : memref<204800x128xf32, #tpu.memory_space<hbm>> -> memref<128x128xf32, #tpu.memory_space<hbm>>
    %dma_wait3A_168 = arith.constant 0 : i32
    %dma_wait3A_169 = tpu.memref_slice %arg4[%mul3A_2, %dma_wait3A_168] : memref<204800x128xf32, #tpu.memory_space<hbm>> -> memref<128x128xf32, #tpu.memory_space<hbm>>
    tpu.wait_dma2 semaphore(%arg13 : memref<!tpu.dma_semaphore, #tpu.memory_space<semaphore_mem>>) src(%arg6 : memref<128x128xf32, #tpu.memory_space<vmem>>) dst(%dma_wait3A_169 : memref<128x128xf32, #tpu.memory_space<hbm>>)
    %dma_wait3A_170 = arith.constant 0 : i32
    %dma_wait3A_171 = tpu.memref_slice %arg4[%mul3A_2, %dma_wait3A_170] : memref<204800x128xf32, #tpu.memory_space<hbm>> -> memref<128x128xf32, #tpu.memory_space<hbm>>
    %dma_wait3A_172 = arith.constant 0 : i32
    %dma_wait3A_173 = tpu.memref_slice %arg4[%mul3A_2, %dma_wait3A_172] : memref<204800x128xf32, #tpu.memory_space<hbm>> -> memref<128x128xf32, #tpu.memory_space<hbm>>
    tpu.wait_dma2 semaphore(%arg13 : memref<!tpu.dma_semaphore, #tpu.memory_space<semaphore_mem>>) src(%arg6 : memref<128x128xf32, #tpu.memory_space<vmem>>) dst(%dma_wait3A_173 : memref<128x128xf32, #tpu.memory_space<hbm>>)
    return
  }
}

</mosaic_0001>

<sc_bundles>
// kernel: _gather.3.cloned.1.call-start
scs
__scs_entry_jumppad:
0x0: {  	(pc) =	sbr.rel $0x88, $3  }
0x1: {  	(tag) =	ssettag $0x0;
	lr =	simm.s32 $0x1  }
0x2: {  	[smem:$0x3F9F] =	sst lr;
	_ =	strace $0xD0000000  }
0x3: {  	_ = 	snop  }
0x4: {  	_ = 	snop  }
0x5: {  	_ = 	snop  }
0x6: {  	_ = 	snop  }
0x7: {  	_ = 	snop  }
__scs_overlays_trampoline_lowered:
0x8: {  	[smem:$0x3FAE] =	sst s0  }
0x9: {  	[smem:$0x3FAF] =	sst s1  }
0xa: {  	[smem:$0x3FB0] =	sst s2  }
0xb: {  	[smem:$0x3FB1] =	sst s3  }
0xc: {  	[smem:$0x3FB2] =	sst s4  }
0xd: {  	[smem:$0x3FB3] =	sst s5  }
0xe: {  	[smem:$0x3FB4] =	sst s6  }
0xf: {  	[smem:$0x3FB5] =	sst s7  }
0x10: {  	[smem:$0x3FB6] =	sst s8  }
0x11: {  	[smem:$0x3FB7] =	sst s9;
	s0 =	simm.s32 @!p0 $0x0  }
0x12: {  	s1 =	sld [smem:$0x3F9D];
	s0 =	simm.s32 @p0 $0x1  }
0x13: {  	[smem:$0x3FB8] =	sst s0;
	s0 =	simm.s32 @!p1 $0x0  }
0x14: {  	s2 =	sld [smem:$0x3F9C];
	s0 =	simm.s32 @p1 $0x1  }
0x15: {  	[smem:$0x3FB9] =	sst s0;
	s0 =	simm.s32 @!p2 $0x0  }
0x16: {  	s3 =	sld [smem:$0x3FDB];
	s0 =	simm.s32 @p2 $0x1  }
0x17: {  	s4 =	simm.s32 $0x1BF5;
	[smem:$0x3FBB] =	sst s0  }
0x18: {  	s0 =	sld [smem:$0x3F9E];
	_ =	swait.ge [sflag:s4], $0x0  }
0x19: {  	s7 =	sld [smem:$0x3F9F]  }
0x1a: {  	s8 =	sadd.s32 $0xFFFFE003, lr  }
0x1b: {  	s9 =	sadd.s32 $0xFFFFFEF7, lr;
	s5 =	simm.s32 $0xFFFFFFFF;
	p2 =	slt.u32 s8, $0xFFFFF086  }
0x1c: {  	p1 =	slt.u32 s9, $0xF7A;
	s5 =	simm.s32 @!p2 $0x0  }
0x1d: {  	s5 =	simm.s32 @p1 $0x1;
	p0 =	seq.s32 s7, s2  }
0x1e: {  	s7 =	smul.u32 @!p0 $0xF7A, s2;
	p2 =	seq.s32 @!p0 s5, $0x0  }
0x1f: {  	s9 =	smul.u32 $0xF7A, s1;
	s8 =	simm.s32 @!p0 $0x1BF5;
	p2 =	por !p2, p0  }
0x20: {  	[sflag:s8] =	ssyncset.s32 @!p0 $0xFFFFF086;
	s6 =	sadd.s32 @!p0 s3, s7;
	s7 =	simm.s32 @!p0 $0x108  }
0x21: {  	s3 =	sadd.s32 s3, s9;
	s6 =	sadd.s32 @!p0 $0x88, s6;
	s7 =	simm.s32 @p2 $0x1082  }
0x22: {  	[simem:s7], [sflag:s8] =	dma.local @!p0 [hbm:s6], $0xF7A  }
0x23: {  	s9 =	sor.u32 $0xD0000000, s2;
	s6 =	simm.s32 $0x108;
	_ =	swait.ge @!p0 [sflag:s8], $0x0  }
0x24: {  	s3 =	sadd.s32 $0x88, s3;
	s6 =	simm.s32 @!p1 $0x1082;
	[sflag:s4] =	ssyncset.s32 $0xFFFFF086  }
0x25: {  	[simem:s6], [sflag:s4] =	dma.local [hbm:s3], $0xF7A  }
0x26: {  	[smem:$0x3F9F] =	sst s1;
	(tag) =	ssettag s2;
	_ =	strace s9  }
0x27: {  	s1 =	sld [smem:$0x3FAF]  }
0x28: {  	s2 =	sld [smem:$0x3FB0]  }
0x29: {  	s4 =	sld [smem:$0x3FB2]  }
0x2a: {  	p0 =	seq.s32 s5, $0x0;
	s5 =	sld [smem:$0x3FB3]  }
0x2b: {  	s6 =	sld [smem:$0x3FB4]  }
0x2c: {  	s7 =	sld [smem:$0x3FB5]  }
0x2d: {  	s3 =	simm.s32 $0x108;
	s8 =	sld [smem:$0x3FB6]  }
0x2e: {  	s3 =	simm.s32 @!p0 $0x1082;
	s9 =	sld [smem:$0x3FB7]  }
0x2f: {  	lr =	sadd.s32 s0, s3;
	s0 =	sld [smem:$0x3FAE]  }
0x30: {  	s3 =	sld [smem:$0x3FB1]  }
0x31: {  	[smem:$0x3FBA] =	sst s10  }
0x32: {  	s10 =	sld [smem:$0x3FB8];
	_ =	sdelay $0x3  }
0x33: {  	p0 =	seq.s32 s10, $0x1;
	s10 =	sld [smem:$0x3FBA];
	_ =	sdelay $0x3  }
0x34: {  	[smem:$0x3FBA] =	sst s10  }
0x35: {  	s10 =	sld [smem:$0x3FB9];
	_ =	sdelay $0x3  }
0x36: {  	p1 =	seq.s32 s10, $0x1;
	s10 =	sld [smem:$0x3FBA];
	_ =	sdelay $0x3  }
0x37: {  	[smem:$0x3FBA] =	sst s10  }
0x38: {  	s10 =	sld [smem:$0x3FBB]  }
0x39: {  	_ = 	snop;
	(pc) =	sbr.ind lr, $3  }
0x3a: {  	_ = 	snop  }
0x3b: {  	_ = 	snop  }
0x3c: {  	p2 =	seq.s32 s10, $0x1;
	s10 =	sld [smem:$0x3FBA]  }
0x3d: {  	_ =	shalt  }
0x3e: {  	_ =	shalt  }
0x3f: {  	_ =	shalt  }
0x40: {  	_ =	shalt  }
0x41: {  	_ =	shalt  }
0x42: {  	_ =	shalt  }
0x43: {  	_ =	shalt  }
0x44: {  	_ =	shalt  }
0x45: {  	_ =	shalt  }
0x46: {  	_ =	shalt  }
0x47: {  	_ =	shalt  }
0x48: {  	_ =	shalt  }
0x49: {  	_ =	shalt  }
0x4a: {  	_ =	shalt  }
0x4b: {  	_ =	shalt  }
0x4c: {  	_ =	shalt  }
0x4d: {  	_ =	shalt  }
0x4e: {  	_ =	shalt  }
0x4f: {  	_ =	shalt  }
0x50: {  	_ =	shalt  }
0x51: {  	_ =	shalt  }
0x52: {  	_ =	shalt  }
0x53: {  	_ =	shalt  }
0x54: {  	_ =	shalt  }
0x55: {  	_ =	shalt  }
0x56: {  	_ =	shalt  }
0x57: {  	_ =	shalt  }
0x58: {  	_ =	shalt  }
0x59: {  	_ =	shalt  }
0x5a: {  	_ =	shalt  }
0x5b: {  	_ =	shalt  }
0x5c: {  	_ =	shalt  }
0x5d: {  	_ =	shalt  }
0x5e: {  	_ =	shalt  }
0x5f: {  	_ =	shalt  }
0x60: {  	_ =	shalt  }
0x61: {  	_ =	shalt  }
0x62: {  	_ =	shalt  }
0x63: {  	_ =	shalt  }
0x64: {  	_ =	shalt  }
0x65: {  	_ =	shalt  }
0x66: {  	_ =	shalt  }
0x67: {  	_ =	shalt  }
0x68: {  	_ =	shalt  }
0x69: {  	_ =	shalt  }
0x6a: {  	_ =	shalt  }
0x6b: {  	_ =	shalt  }
0x6c: {  	_ =	shalt  }
0x6d: {  	_ =	shalt  }
0x6e: {  	_ =	shalt  }
0x6f: {  	_ =	shalt  }
0x70: {  	_ =	shalt  }
0x71: {  	_ =	shalt  }
0x72: {  	_ =	shalt  }
0x73: {  	_ =	shalt  }
0x74: {  	_ =	shalt  }
0x75: {  	_ =	shalt  }
0x76: {  	_ =	shalt  }
0x77: {  	_ =	shalt  }
0x78: {  	_ =	shalt  }
0x79: {  	_ =	shalt  }
0x7a: {  	_ =	shalt  }
0x7b: {  	_ =	shalt  }
0x7c: {  	_ =	shalt  }
0x7d: {  	_ =	shalt  }
0x7e: {  	_ =	shalt  }
0x7f: {  	_ =	shalt  }
0x80: {  	_ =	shalt  }
0x81: {  	_ =	shalt  }
0x82: {  	_ =	shalt  }
0x83: {  	_ =	shalt  }
0x84: {  	_ =	shalt  }
0x85: {  	_ =	shalt  }
0x86: {  	_ =	shalt  }
0x87: {  	_ =	shalt  }
.Lfunc_end0:
.L_simem_size_0:
called_computation_lowered:
.L_overlay_start_0:
0x88: {  	s2 =	sld [smem:$0x3FD9]  }
0x89: {  	s3 =	sld [smem:$0x3FFE];
	_ =	sdelay $0x1  }
0x8a: {  	s1 =	srdreg.scid  }
0x8b: {  	s0 =	sand.u32 $0x1, s1  }
0x8c: {  	s17 =	sshll.u32 s0, $0xA;
	s2 =	sadd.s32 s3, s2  }
0x8d: {  	s2 =	sadd.s32 s2, s17  }
0x8e: {  	[smem:$0x3FC6] =	sst s2  }
0x8f: {  	_ = 	snop  }
0x90: {  	s2 =	sld [smem:$0x3FC9]  }
0x91: {  	s18 =	sld [smem:$0x3FD0];
	(tm) =	ssettm $0x1  }
0x92: {  	s4 =	sld [smem:$0x3FFB];
	_ =	sdelay $0x3  }
0x93: {  	_ =	strace s4  }
0x94: {  	s4 =	sld [smem:$0x3FFC];
	_ =	sdelay $0x3  }
0x95: {  	_ =	strace s4  }
0x96: {  	s4 =	sld [smem:$0x3FFD];
	_ =	sdelay $0x3  }
0x97: {  	_ =	strace s4  }
0x98: {  	_ =	strace $0x8FFFFFFF  }
0x99: {  	s19 =	sld [smem:$0x3FDB];
	_ =	sdelay $0x1  }
0x9a: {  	s5 =	simm.s32 $_scs_section_size  }
0x9b: {  	s6 =	simm.s32 $_size__tile_overlayer_lowered;
	s7 =	simm.s32 $_tile_overlayer_lowered  }
0x9c: {  	s22 =	simm.s32 $0x1BFF;
	s21 =	sshll.u32 s7, $0x1;
	s4 =	sadd.s32 s5, s19  }
0x9d: {  	s8 =	simm.s32 $0x0;
	s20 =	sshll.u32 s6, $0x1;
	s6 =	sadd.s32 s21, s4  }
0x9e: {  	[timem:s8], [sflag:s22] =	dma.local [hbm:s6], s20  }
0x9f: {  	_ =	swait.ge [sflag:s22], s20  }
0xa0: {  	s5 =	ssub.s32 $0x0, s20;
	[sflag:s22] =	ssyncset.done $0x0  }
0xa1: {  	[sflag:s22] =	ssyncadd.s32 s5;
	_ =	sdelay $0x1  }
0xa2: {  	s23 =	simm.s32 $0x1B8B  }
0xa3: {  	_ =	swait.ge [sflag:s23], $0x1  }
0xa4: {  	[sflag:s23] =	ssyncset.done $0x0  }
0xa5: {  	s25 =	simm.s32 $0x1B8E;
	s24 =	sld [smem:$0x3FFE];
	[sflag:s23] =	ssyncadd.s32 $0xFFFFFFFF  }
0xa6: {  	s26 =	simm.s32 $execute0_lowered;
	[smem:$0x3FD2] =	sst s25  }
0xa7: {  	s6 =	sshll.u32 s26, $0x1;
	_ =	strace $0x80000046;
	[dreg:$0x1] =	wrdreg $0xFFFFFFFF  }
0xa8: {  	s28 =	simm.s32 $_size_execute0_lowered;
	s4 =	sadd.s32 s4, s6;
	[dreg:$0x0] =	wrdreg $0x0  }
0xa9: {  	s6 =	sshll.u32 s28, $0x1;
	[dreg:$0x2] =	wrdreg s4  }
0xaa: {  	[dreg:$0x3] =	wrdreg s6  }
0xab: {  	[dreg:$0x4] =	wrdreg $0xC0  }
0xac: {  	_ =	task [dreg:s8], $0x5FFFF  }
0xad: {  	[dreg:$0x1] =	wrdreg $0xFFFFFFFF  }
0xae: {  	[dreg:$0x0] =	wrdreg $0x60  }
0xaf: {  	[dreg:$0x2] =	wrdreg s2  }
0xb0: {  	[dreg:$0x3] =	wrdreg s24  }
0xb1: {  	[dreg:$0x4] =	wrdreg s18  }
0xb2: {  	[dreg:$0x5] =	wrdreg $0x9  }
0xb3: {  	_ =	task.clear_ibuf [dreg:s8], $0x6FFFF;
	_ =	strace $0x90000046  }
0xb4: {  	s29 =	simm.s32 $0x9;
	_ =	strace $0x80000048  }
0xb5: {  	_ =	swait.ge [sflag:s29], $0x1  }
0xb6: {  	[sflag:s29] =	ssyncadd.s32 $0xFFFFFFFF  }
0xb7: {  	_ =	strace $0x90000048  }
0xb8: {  	_ =	sfence  }
0xb9: {  	s30 =	sld [smem:$0x0];
	_ =	sdelay $0x2  }
0xba: {  	s31 =	sshll.u32 s1, $0xD;
	s1 =	sshrl.u32 s1, $0x2  }
0xbb: {  	s3 =	sand.u32 $0x4000, s31;
	s1 =	sadd.s32 s1, s30  }
0xbc: {  	s0 =	sor.u32 s3, s0;
	s1 =	sshll.u32 s1, $0x11  }
0xbd: {  	s0 =	sor.u32 s1, s0  }
0xbe: {  	s0 =	sadd.s32 $0x8F2B, s0  }
0xbf: {  	[sflag:s0] =	ssyncadd.remote.s32 $0x1  }
0xc0: {  	_ =	sfence.sel $0xFFFF  }
0xc1: {  	[dreg:$0x0] =	wrdreg $0xFFFFFFFF;
	(pc) =	sbr.abs _section_cstart, $3  }
0xc2: {  	[dreg:$0x1] =	wrdreg $0xFFFFFFFF  }
0xc3: {  	_ =	task.clear_ibuf [dreg:s8], $0x2FFFF;
	_ =	strace $0x9FFFFFFF  }
0xc4: {  	(tm) =	ssettm $0x7FFFFFFF  }
0xc5: {  	_ =	shalt  }
tec
execute0_lowered:
.L_overlay_start_1:
0x0: {  	(tag) =	ssettag $0x1  }
0x1: {  	s1 =	rddreg [dreg:$0x0];
	s0 =	srdreg.scid  }
0x2: {  	s10 =	stileid.u32;
	s2 =	rddreg [dreg:$0x1]  }
0x3: {  	s12 =	rddreg [dreg:$0x2];
	s15 =	simm.s32 $0x3;
	s16 =	simm.s32 $0x80  }
0x4: {  	s17 =	simm.s32 $0x1C00;
	s18 =	simm.s32 $0x5C00;
	s20 =	simm.s32 $0x9C00  }
0x5: {  	s21 =	simm.s32 $0x1;
	s23 =	simm.s32 $0xDC00;
	s28 =	simm.s32 $0x15C00  }
0x6: {  	s0 =	sand.u32 $0x1, s0;
	s3 =	sshll.u32 s10, $0x1;
	s14 =	smul.u32 $0x32000, s10  }
0x7: {  	s4 =	sor.u32 s0, s3;
	s6 =	ssub.s32 $0x2, s0;
	s0 =	smul.u32 $0x19000, s0  }
0x8: {  	s29 =	simm.s32 $0x2;
	s30 =	simm.s32 $0x300;
	s5 =	smul.u32 $0x380, s4  }
0x9: {  	s31 =	simm.s32 $0x380;
	s3 =	simm.s32 $0x0;
	s7 =	smul.u32 $0xC8000, s4  }
0xa: {  	[smem:$0x7FF] =	sst s3;
	s8 =	sshrl.u32 s6, $0x1;
	s9 =	smul.u32 $0x19000, s4  }
0xb: {  	s14 =	sadd.s32 s14, s12;
	_ =	strace $0x80000047;
	s13 =	ssub.s32 s6, s8  }
0xc: {  	s0 =	sadd.s32 s0, s14;
	s2 =	sadd.s32 s5, s2;
	s25 =	sshrl.u32 s7, $0x3  }
0xd: {  	s5 =	sadd.s32 s12, s9;
	s13 =	smax.u32 s13, $0x1;
	s14 =	sadd.s32 $0x2800, s0  }
0xe: {  	s4 =	sadd.s32 $0x400, s2;
	s26 =	sadd.s32 s12, s25;
	s6 =	sadd.s32 $0x800, s5  }
0xf: {  	s25 =	simm.s32 $0x11C00;
	s2 =	simm.s32 $0x0;
	s7 =	sadd.s32 $0x1000, s26  }
0x10: {  	s8 =	sadd.s32 $0x1800, s26;
	s9 =	sadd.s32 $0x2000, s26;
	s10 =	sadd.s32 $0x17800, s26  }
0x11: {  	s11 =	sadd.s32 $0x18000, s26;
	s12 =	sadd.s32 $0x18800, s26;
	s26 =	simm.s32 $0x280  }
.LBB2_1:
0x12: {  	[tilespmem:s3], [sflag:$0x3] =	stream.linear.gather [hbm4b:s4+s3], $0x1900, $0x38;
	[tilespmem:$0x19C00] =	vst v63  }
0x13: {  	_ =	swait.ge [sflag:s15], $0x1900  }
0x14: {  	[sflag:s15] =	ssyncset.done $0x0  }
0x15: {  	[sflag:s15] =	ssyncadd.s32 $0xFFFFE700  }
0x16: {  	[tilespmem:s17], [sflag:$0x1] =	stream.indirect.gather [hbm4b:s1+s16], $0x80, s3, s16, $0xb8;
	[tilespmem:$0x19C00] =	vst v63  }
0x17: {  	_ = 	snop  }
0x18: {  	[tilespmem:s18], [sflag:$0x1] =	stream.indirect.gather [hbm4b:s1+s16], $0x80, s16, s16, $0xb8;
	[tilespmem:$0x19C00] =	vst v63  }
0x19: {  	s0 =	simm.s32 $0x100  }
0x1a: {  	[tilespmem:s20], [sflag:$0x1] =	stream.indirect.gather [hbm4b:s1+s16], $0x80, s0, s16, $0xb8;
	[tilespmem:$0x19C00] =	vst v63  }
0x1b: {  	_ =	swait.ge [sflag:s21], $0x4000  }
0x1c: {  	[sflag:s21] =	ssyncset.done $0x0  }
0x1d: {  	s19 =	simm.s32 $0x180;
	[sflag:s21] =	ssyncadd.s32 $0xFFFFC000  }
0x1e: {  	[tilespmem:s23], [sflag:$0x1] =	stream.indirect.gather [hbm4b:s1+s16], $0x80, s19, s16, $0xb8;
	[tilespmem:$0x19C00] =	vst v63  }
0x1f: {  	_ = 	snop  }
0x20: {  	[hbm4b:s5+s3] =	stream.linear.scatter [tilespmem:s17], [sflag:$0x2], $0x4000, $0x38;
	[tilespmem:$0x19C00] =	vst v63  }
0x21: {  	_ =	swait.ge [sflag:s21], $0x4000  }
0x22: {  	[sflag:s21] =	ssyncset.done $0x0  }
0x23: {  	s22 =	simm.s32 $0x200;
	[sflag:s21] =	ssyncadd.s32 $0xFFFFC000  }
0x24: {  	[tilespmem:s25], [sflag:$0x1] =	stream.indirect.gather [hbm4b:s1+s16], $0x80, s22, s16, $0xb8;
	[tilespmem:$0x19C00] =	vst v63  }
0x25: {  	_ = 	snop  }
0x26: {  	[hbm4b:s6+s3] =	stream.linear.scatter [tilespmem:s18], [sflag:$0x2], $0x4000, $0x38;
	[tilespmem:$0x19C00] =	vst v63  }
0x27: {  	_ =	swait.ge [sflag:s21], $0x4000  }
0x28: {  	[sflag:s21] =	ssyncset.done $0x0  }
0x29: {  	[sflag:s21] =	ssyncadd.s32 $0xFFFFC000  }
0x2a: {  	[tilespmem:s28], [sflag:$0x1] =	stream.indirect.gather [hbm4b:s1+s16], $0x80, s26, s16, $0xb8;
	[tilespmem:$0x19C00] =	vst v63  }
0x2b: {  	_ = 	snop  }
0x2c: {  	[hbm4b:s7+s3] =	stream.linear.scatter [tilespmem:s20], [sflag:$0x2], $0x4000, $0x38;
	[tilespmem:$0x19C00] =	vst v63  }
0x2d: {  	_ =	swait.ge [sflag:s21], $0x4000  }
0x2e: {  	[sflag:s21] =	ssyncset.done $0x0  }
0x2f: {  	[sflag:s21] =	ssyncadd.s32 $0xFFFFC000  }
0x30: {  	_ =	swait.ge [sflag:s29], $0x4000  }
0x31: {  	[sflag:s29] =	ssyncset.done $0x0  }
0x32: {  	[sflag:s29] =	ssyncadd.s32 $0xFFFFC000  }
0x33: {  	[tilespmem:s17], [sflag:$0x1] =	stream.indirect.gather [hbm4b:s1+s16], $0x80, s30, s16, $0xb8;
	[tilespmem:$0x19C00] =	vst v63  }
0x34: {  	_ = 	snop  }
0x35: {  	[hbm4b:s8+s3] =	stream.linear.scatter [tilespmem:s23], [sflag:$0x2], $0x4000, $0x38;
	[tilespmem:$0x19C00] =	vst v63  }
0x36: {  	_ =	swait.ge [sflag:s21], $0x4000  }
0x37: {  	[sflag:s21] =	ssyncset.done $0x0  }
0x38: {  	[sflag:s21] =	ssyncadd.s32 $0xFFFFC000  }
0x39: {  	_ =	swait.ge [sflag:s29], $0x4000  }
0x3a: {  	[sflag:s29] =	ssyncset.done $0x0  }
0x3b: {  	[sflag:s29] =	ssyncadd.s32 $0xFFFFC000  }
0x3c: {  	[tilespmem:s18], [sflag:$0x1] =	stream.indirect.gather [hbm4b:s1+s16], $0x80, s31, s16, $0xb8;
	[tilespmem:$0x19C00] =	vst v63  }
0x3d: {  	_ = 	snop  }
0x3e: {  	[hbm4b:s9+s3] =	stream.linear.scatter [tilespmem:s25], [sflag:$0x2], $0x4000, $0x38;
	[tilespmem:$0x19C00] =	vst v63  }
0x3f: {  	_ =	swait.ge [sflag:s21], $0x4000  }
0x40: {  	[sflag:s21] =	ssyncset.done $0x0  }
0x41: {  	[sflag:s21] =	ssyncadd.s32 $0xFFFFC000  }
0x42: {  	_ =	swait.ge [sflag:s29], $0x4000  }
0x43: {  	[sflag:s29] =	ssyncset.done $0x0  }
0x44: {  	s24 =	simm.s32 $0x400;
	[sflag:s29] =	ssyncadd.s32 $0xFFFFC000  }
0x45: {  	[tilespmem:s20], [sflag:$0x1] =	stream.indirect.gather [hbm4b:s1+s16], $0x80, s24, s16, $0xb8;
	[tilespmem:$0x19C00] =	vst v63  }
0x46: {  	_ = 	snop  }
0x47: {  	[hbm4b:s14+s3] =	stream.linear.scatter [tilespmem:s28], [sflag:$0x2], $0x4000, $0x38;
	[tilespmem:$0x19C00] =	vst v63  }
0x48: {  	_ =	swait.ge [sflag:s21], $0x4000  }
0x49: {  	[sflag:s21] =	ssyncset.done $0x0  }
0x4a: {  	[sflag:s21] =	ssyncadd.s32 $0xFFFFC000  }
0x4b: {  	_ =	swait.ge [sflag:s29], $0x4000  }
0x4c: {  	[sflag:s29] =	ssyncset.done $0x0  }
0x4d: {  	s19 =	simm.s32 $0x480;
	[sflag:s29] =	ssyncadd.s32 $0xFFFFC000  }
0x4e: {  	[tilespmem:s23], [sflag:$0x1] =	stream.indirect.gather [hbm4b:s1+s16], $0x80, s19, s16, $0xb8;
	[tilespmem:$0x19C00] =	vst v63  }
0x4f: {  	s22 =	sadd.s32 $0x800, s14  }
0x50: {  	[hbm4b:s22+s3] =	stream.linear.scatter [tilespmem:s17], [sflag:$0x2], $0x4000, $0x38;
	[tilespmem:$0x19C00] =	vst v63  }
0x51: {  	_ =	swait.ge [sflag:s21], $0x4000  }
0x52: {  	[sflag:s21] =	ssyncset.done $0x0  }
0x53: {  	[sflag:s21] =	ssyncadd.s32 $0xFFFFC000  }
0x54: {  	_ =	swait.ge [sflag:s29], $0x4000  }
0x55: {  	[sflag:s29] =	ssyncset.done $0x0  }
0x56: {  	s24 =	simm.s32 $0x500;
	[sflag:s29] =	ssyncadd.s32 $0xFFFFC000  }
0x57: {  	[tilespmem:s25], [sflag:$0x1] =	stream.indirect.gather [hbm4b:s1+s16], $0x80, s24, s16, $0xb8;
	[tilespmem:$0x19C00] =	vst v63  }
0x58: {  	s19 =	sadd.s32 $0x1000, s14  }
0x59: {  	[hbm4b:s19+s3] =	stream.linear.scatter [tilespmem:s18], [sflag:$0x2], $0x4000, $0x38;
	[tilespmem:$0x19C00] =	vst v63  }
0x5a: {  	_ =	swait.ge [sflag:s21], $0x4000  }
0x5b: {  	[sflag:s21] =	ssyncset.done $0x0  }
0x5c: {  	[sflag:s21] =	ssyncadd.s32 $0xFFFFC000  }
0x5d: {  	_ =	swait.ge [sflag:s29], $0x4000  }
0x5e: {  	[sflag:s29] =	ssyncset.done $0x0  }
0x5f: {  	s22 =	simm.s32 $0x580;
	[sflag:s29] =	ssyncadd.s32 $0xFFFFC000  }
0x60: {  	[tilespmem:s28], [sflag:$0x1] =	stream.indirect.gather [hbm4b:s1+s16], $0x80, s22, s16, $0xb8;
	[tilespmem:$0x19C00] =	vst v63  }
0x61: {  	s24 =	sadd.s32 $0x1800, s14  }
0x62: {  	[hbm4b:s24+s3] =	stream.linear.scatter [tilespmem:s20], [sflag:$0x2], $0x4000, $0x38;
	[tilespmem:$0x19C00] =	vst v63  }
0x63: {  	_ =	swait.ge [sflag:s21], $0x4000  }
0x64: {  	[sflag:s21] =	ssyncset.done $0x0  }
0x65: {  	[sflag:s21] =	ssyncadd.s32 $0xFFFFC000  }
0x66: {  	_ =	swait.ge [sflag:s29], $0x4000  }
0x67: {  	[sflag:s29] =	ssyncset.done $0x0  }
0x68: {  	s19 =	simm.s32 $0x600;
	[sflag:s29] =	ssyncadd.s32 $0xFFFFC000  }
0x69: {  	[tilespmem:s17], [sflag:$0x1] =	stream.indirect.gather [hbm4b:s1+s16], $0x80, s19, s16, $0xb8;
	[tilespmem:$0x19C00] =	vst v63  }
0x6a: {  	s22 =	sadd.s32 $0x2000, s14  }
0x6b: {  	[hbm4b:s22+s3] =	stream.linear.scatter [tilespmem:s23], [sflag:$0x2], $0x4000, $0x38;
	[tilespmem:$0x19C00] =	vst v63  }
0x6c: {  	_ =	swait.ge [sflag:s21], $0x4000  }
0x6d: {  	[sflag:s21] =	ssyncset.done $0x0  }
0x6e: {  	[sflag:s21] =	ssyncadd.s32 $0xFFFFC000  }
0x6f: {  	_ =	swait.ge [sflag:s29], $0x4000  }
0x70: {  	s0 =	simm.s32 $0xC00;
	s24 =	simm.s32 $0x680;
	[sflag:s29] =	ssyncset.done $0x0  }
0x71: {  	s19 =	sadd.s32 $0x3000, s14;
	s22 =	sadd.s32 $0x2800, s14;
	[sflag:s29] =	ssyncadd.s32 $0xFFFFC000  }
0x72: {  	[tilespmem:s18], [sflag:$0x1] =	stream.indirect.gather [hbm4b:s1+s16], $0x80, s24, s16, $0xb8;
	[tilespmem:$0x19C00] =	vst v63  }
.LBB2_2:
0x73: {  	[hbm4b:s22+s3] =	stream.linear.scatter [tilespmem:s25], [sflag:$0x2], $0x4000, $0x38;
	[tilespmem:$0x19C00] =	vst v63  }
0x74: {  	s22 =	smov.u32 s0  }
0x75: {  	p0 =	sne.s32 s0, $0x4800;
	s0 =	sadd.s32 $0xC00, s0;
	_ =	swait.ge [sflag:s21], $0x4000  }
0x76: {  	[sflag:s21] =	ssyncset.done $0x0  }
0x77: {  	[sflag:s21] =	ssyncadd.s32 $0xFFFFC000  }
0x78: {  	_ =	swait.ge [sflag:s29], $0x4000  }
0x79: {  	s22 =	sshra.s32 s22, $0x2;
	[sflag:s29] =	ssyncset.done $0x0  }
0x7a: {  	s24 =	sadd.s32 $0x400, s22;
	[sflag:s29] =	ssyncadd.s32 $0xFFFFC000  }
0x7b: {  	[tilespmem:s20], [sflag:$0x1] =	stream.indirect.gather [hbm4b:s1+s16], $0x80, s24, s16, $0xb8;
	[tilespmem:$0x19C00] =	vst v63  }
0x7c: {  	_ = 	snop  }
0x7d: {  	[hbm4b:s19+s3] =	stream.linear.scatter [tilespmem:s28], [sflag:$0x2], $0x4000, $0x38;
	[tilespmem:$0x19C00] =	vst v63  }
0x7e: {  	_ =	swait.ge [sflag:s21], $0x4000  }
0x7f: {  	[sflag:s21] =	ssyncset.done $0x0  }
0x80: {  	[sflag:s21] =	ssyncadd.s32 $0xFFFFC000  }
0x81: {  	_ =	swait.ge [sflag:s29], $0x4000  }
0x82: {  	[sflag:s29] =	ssyncset.done $0x0  }
0x83: {  	s24 =	sadd.s32 $0x480, s22;
	[sflag:s29] =	ssyncadd.s32 $0xFFFFC000  }
0x84: {  	[tilespmem:s23], [sflag:$0x1] =	stream.indirect.gather [hbm4b:s1+s16], $0x80, s24, s16, $0xb8;
	[tilespmem:$0x19C00] =	vst v63  }
0x85: {  	s24 =	sadd.s32 $0x800, s19  }
0x86: {  	[hbm4b:s24+s3] =	stream.linear.scatter [tilespmem:s17], [sflag:$0x2], $0x4000, $0x38;
	[tilespmem:$0x19C00] =	vst v63  }
0x87: {  	_ =	swait.ge [sflag:s21], $0x4000  }
0x88: {  	[sflag:s21] =	ssyncset.done $0x0  }
0x89: {  	[sflag:s21] =	ssyncadd.s32 $0xFFFFC000  }
0x8a: {  	_ =	swait.ge [sflag:s29], $0x4000  }
0x8b: {  	[sflag:s29] =	ssyncset.done $0x0  }
0x8c: {  	s24 =	sadd.s32 $0x500, s22;
	[sflag:s29] =	ssyncadd.s32 $0xFFFFC000  }
0x8d: {  	[tilespmem:s25], [sflag:$0x1] =	stream.indirect.gather [hbm4b:s1+s16], $0x80, s24, s16, $0xb8;
	[tilespmem:$0x19C00] =	vst v63  }
0x8e: {  	s24 =	sadd.s32 $0x1000, s19  }
0x8f: {  	[hbm4b:s24+s3] =	stream.linear.scatter [tilespmem:s18], [sflag:$0x2], $0x4000, $0x38;
	[tilespmem:$0x19C00] =	vst v63  }
0x90: {  	_ =	swait.ge [sflag:s21], $0x4000  }
0x91: {  	[sflag:s21] =	ssyncset.done $0x0  }
0x92: {  	[sflag:s21] =	ssyncadd.s32 $0xFFFFC000  }
0x93: {  	_ =	swait.ge [sflag:s29], $0x4000  }
0x94: {  	[sflag:s29] =	ssyncset.done $0x0  }
0x95: {  	s24 =	sadd.s32 $0x580, s22;
	[sflag:s29] =	ssyncadd.s32 $0xFFFFC000  }
0x96: {  	[tilespmem:s28], [sflag:$0x1] =	stream.indirect.gather [hbm4b:s1+s16], $0x80, s24, s16, $0xb8;
	[tilespmem:$0x19C00] =	vst v63  }
0x97: {  	s24 =	sadd.s32 $0x1800, s19  }
0x98: {  	[hbm4b:s24+s3] =	stream.linear.scatter [tilespmem:s20], [sflag:$0x2], $0x4000, $0x38;
	[tilespmem:$0x19C00] =	vst v63  }
0x99: {  	_ =	swait.ge [sflag:s21], $0x4000  }
0x9a: {  	[sflag:s21] =	ssyncset.done $0x0  }
0x9b: {  	[sflag:s21] =	ssyncadd.s32 $0xFFFFC000  }
0x9c: {  	_ =	swait.ge [sflag:s29], $0x4000  }
0x9d: {  	[sflag:s29] =	ssyncset.done $0x0  }
0x9e: {  	s24 =	sadd.s32 $0x600, s22;
	[sflag:s29] =	ssyncadd.s32 $0xFFFFC000  }
0x9f: {  	[tilespmem:s17], [sflag:$0x1] =	stream.indirect.gather [hbm4b:s1+s16], $0x80, s24, s16, $0xb8;
	[tilespmem:$0x19C00] =	vst v63  }
0xa0: {  	s24 =	sadd.s32 $0x2000, s19  }
0xa1: {  	[hbm4b:s24+s3] =	stream.linear.scatter [tilespmem:s23], [sflag:$0x2], $0x4000, $0x38;
	[tilespmem:$0x19C00] =	vst v63  }
0xa2: {  	_ =	swait.ge [sflag:s21], $0x4000  }
0xa3: {  	[sflag:s21] =	ssyncset.done $0x0  }
0xa4: {  	[sflag:s21] =	ssyncadd.s32 $0xFFFFC000  }
.Ltmp0:
0xa5: {  	_ =	swait.ge [sflag:s29], $0x4000;
	(pc) =	sbr.rel @p0 .LBB2_2-.Ltmp0, $4  }
0xa6: {  	[sflag:s29] =	ssyncset.done $0x0  }
0xa7: {  	s22 =	sadd.s32 $0x680, s22;
	[sflag:s29] =	ssyncadd.s32 $0xFFFFC000  }
0xa8: {  	[tilespmem:s18], [sflag:$0x1] =	stream.indirect.gather [hbm4b:s1+s16], $0x80, s22, s16, $0xb8;
	[tilespmem:$0x19C00] =	vst v63  }
0xa9: {  	s22 =	sadd.s32 $0x2800, s19;
	s19 =	sadd.s32 $0x3000, s19  }
0xaa: {  	[hbm4b:s22+s3] =	stream.linear.scatter [tilespmem:s25], [sflag:$0x2], $0x4000, $0x38;
	[tilespmem:$0x19C00] =	vst v63  }
0xab: {  	_ =	swait.ge [sflag:s21], $0x4000  }
0xac: {  	[sflag:s21] =	ssyncset.done $0x0  }
0xad: {  	[sflag:s21] =	ssyncadd.s32 $0xFFFFC000  }
0xae: {  	_ =	swait.ge [sflag:s29], $0x4000  }
0xaf: {  	[sflag:s29] =	ssyncset.done $0x0  }
0xb0: {  	[sflag:s29] =	ssyncadd.s32 $0xFFFFC000  }
0xb1: {  	[hbm4b:s10+s3] =	stream.linear.scatter [tilespmem:s28], [sflag:$0x2], $0x4000, $0x38;
	[tilespmem:$0x19C00] =	vst v63  }
0xb2: {  	_ =	swait.ge [sflag:s21], $0x4000  }
0xb3: {  	[sflag:s21] =	ssyncset.done $0x0  }
0xb4: {  	[sflag:s21] =	ssyncadd.s32 $0xFFFFC000  }
0xb5: {  	_ =	swait.ge [sflag:s29], $0x4000  }
0xb6: {  	[sflag:s29] =	ssyncset.done $0x0  }
0xb7: {  	[sflag:s29] =	ssyncadd.s32 $0xFFFFC000  }
0xb8: {  	[hbm4b:s11+s3] =	stream.linear.scatter [tilespmem:s17], [sflag:$0x2], $0x4000, $0x38;
	[tilespmem:$0x19C00] =	vst v63  }
0xb9: {  	_ =	swait.ge [sflag:s21], $0x4000  }
0xba: {  	[sflag:s21] =	ssyncset.done $0x0  }
0xbb: {  	[sflag:s21] =	ssyncadd.s32 $0xFFFFC000  }
0xbc: {  	_ =	swait.ge [sflag:s29], $0x4000  }
0xbd: {  	[sflag:s29] =	ssyncset.done $0x0  }
0xbe: {  	[sflag:s29] =	ssyncadd.s32 $0xFFFFC000  }
0xbf: {  	[hbm4b:s12+s3] =	stream.linear.scatter [tilespmem:s18], [sflag:$0x2], $0x4000, $0x38;
	[tilespmem:$0x19C00] =	vst v63  }
0xc0: {  	_ =	swait.ge [sflag:s29], $0x4000  }
0xc1: {  	[sflag:s29] =	ssyncset.done $0x0  }
0xc2: {  	s2 =	sadd.s32 $0x1, s2;
	[sflag:s29] =	ssyncadd.s32 $0xFFFFC000  }
0xc3: {  	p0 =	sne.s32 s2, s13;
	_ =	swait.ge [sflag:s29], $0x4000  }
.Ltmp1:
0xc4: {  	[sflag:s29] =	ssyncset.done $0x0;
	(pc) =	sbr.rel @p0 .LBB2_1-.Ltmp1, $4  }
0xc5: {  	[sflag:s29] =	ssyncadd.s32 $0xFFFFC000  }
0xc6: {  	_ =	swait.ge [sflag:s29], $0x4000  }
0xc7: {  	[sflag:s29] =	ssyncset.done $0x0  }
0xc8: {  	[sflag:s29] =	ssyncadd.s32 $0xFFFFC000  }
0xc9: {  	_ =	sfence.sel $0x180000  }
0xca: {  	[bflag:$0x0] =	sbarrier.arrive $0xFFFF  }
0xcb: {  	_ =	strace $0x90000047  }
0xcc: {  	s0 =	stileid.u32;
	[bflag:$0x2] =	sbarrier.arrive $0xFFFF  }
0xcd: {  	p0 =	sne.s32 s0, $0x0;
	s0 =	rddreg [dreg:$0x3]  }
0xce: {  	s0 =	sadd.s32 @!p0 $0x100000, s0  }
0xcf: {  	[sflag:s0] =	ssyncadd.tile.s32 @!p0 $0x1;
	_ =	shalt  }
.Lfunc_end2:
_tile_overlayer_lowered:
.L_overlay_start_2:
0xd0: {  	(tag) =	ssettag $0x2  }
0xd1: {  	s0 =	rddreg [dreg:$0x0];
	s2 =	stileid.u32  }
0xd2: {  	s1 =	rddreg [dreg:$0x1];
	p0 =	sne.s32 s2, $0x0  }
0xd3: {  	s3 =	rddreg [dreg:$0x2];
	[bflag:$0x3] =	sbarrier.arrive $0xFFFF;
	s2 =	simm.s32 @!p0 $0x1C03  }
0xd4: {  	[timem:s3], [sflag:s2] =	dma.local @!p0 [hbm:s0], s1  }
0xd5: {  	s0 =	simm.s32 @!p0 $0x3  }
0xd6: {  	_ =	swait.ge @!p0 [sflag:s0], s1  }
0xd7: {  	s1 =	ssub.s32 @!p0 $0x0, s1;
	[sflag:s0] =	ssyncset.done @!p0 $0x0  }
0xd8: {  	[sflag:s0] =	ssyncadd.s32 @!p0 s1  }
0xd9: {  	[bflag:$0x3] =	sbarrier.arrive $0xFFFF  }
0xda: {  	_ =	shalt  }

</sc_bundles>
